<compile_context>
chip_gen: v7x
topology: tpu7x:2x2x1
jax: 0.10.2.dev20260603
libtpu: 0.0.44.dev20260713+nightly
codegen_flags: <defaults>
</compile_context>

<pallas_src>
import jax
import jax.numpy as jnp
from jax import lax
from jax.experimental import pallas as pl
from jax.experimental.pallas import tpu as pltpu
from jax.experimental.pallas import tpu_sc as plsc

N = 50000
E = 800000
H = 64
HQ = 16
NF = N // 2

CHUNK = 512
GK = 1
NG = 10
NMB = 10
CPM = NG * GK
E_PAD = 16 * NMB * NG * GK * CHUNK
BE = E_PAD // 25

T_ROWS = 50176
ACC_ROWS = 50176
ZROWS = 64
M_PAD = 50048
ROWS_PER_SUB = M_PAD // 16
PAD_DST = M_PAD


def _seg_body(t4, sx, dx, m_out, spt, acc, sv, dv, rv0, rv1, zbuf,
              gsem0, gsem1, ssem0, ssem1):
    c = lax.axis_index("c")
    s = lax.axis_index("s")

    zv = jnp.zeros((16,), jnp.float32)

    def _zb(i, carry):
        zbuf[i, pl.ds(0, 16)] = zv
        return carry

    lax.fori_loop(0, ZROWS, _zb, 0)

    rv = (rv0, rv1)
    gsem = (gsem0, gsem1)
    ssem = (ssem0, ssem1)

    def _drain_scatters(B):
        for j in range(GK):
            pltpu.make_async_copy(
                rv[B].at[j], acc.at[dv.at[j]], ssem[B]
            ).wait()

    for q_loc in (0, 1):
        q = 2 * c + q_loc

        def _za(k, carry):
            pltpu.sync_copy(zbuf, acc.at[pl.ds(s * 3136 + k * ZROWS, ZROWS)])
            return carry

        lax.fori_loop(0, 49, _za, 0)
        pltpu.sync_copy(
            t4.at[pl.ds(s * 3136, 3136), q],
            spt.at[pl.ds(s * 3136, 3136)],
        )
        plsc.subcore_barrier()

        def _mega(mb, carry):
            @pl.when(mb > 0)
            def _():
                _drain_scatters(0)
                _drain_scatters(1)

            pltpu.sync_copy(sx.at[s, mb], sv)
            pltpu.sync_copy(dx.at[s, mb], dv)

            def _gpair(gp, inner):
                for B in (0, 1):
                    g = 2 * gp + B

                    @pl.when(g >= 2)
                    def _():
                        _drain_scatters(B)

                    descs = []
                    for j in range(GK):
                        descs.append(pltpu.async_copy(
                            spt.at[sv.at[g * GK + j]], rv[B].at[j], gsem[B]
                        ))
                    for d in descs:
                        d.wait()
                    for j in range(GK):
                        pltpu.async_copy(
                            rv[B].at[j], acc.at[dv.at[g * GK + j]], ssem[B],
                            add=True,
                        )
                return inner

            lax.fori_loop(0, NG // 2, _gpair, 0)
            return carry

        lax.fori_loop(0, NMB, _mega, 0)
        _drain_scatters(0)
        _drain_scatters(1)
        plsc.subcore_barrier()

        pltpu.sync_copy(
            acc.at[pl.ds(s * ROWS_PER_SUB, ROWS_PER_SUB)],
            m_out.at[pl.ds(s * ROWS_PER_SUB, ROWS_PER_SUB), q],
        )
        plsc.subcore_barrier()


def _segment_sum(t4, sx, dx):
    mesh = plsc.VectorSubcoreMesh(
        core_axis_name="c", subcore_axis_name="s", num_cores=2, num_subcores=16
    )
    return pl.kernel(
        _seg_body,
        out_type=jax.ShapeDtypeStruct((M_PAD, 4, HQ), jnp.float32),
        mesh=mesh,
        scratch_types=[
            pltpu.VMEM_SHARED((T_ROWS, HQ), jnp.float32),
            pltpu.VMEM_SHARED((ACC_ROWS, HQ), jnp.float32),
            pltpu.VMEM((CPM, CHUNK), jnp.int32),
            pltpu.VMEM((CPM, CHUNK), jnp.int32),
            pltpu.VMEM((GK, CHUNK, HQ), jnp.float32),
            pltpu.VMEM((GK, CHUNK, HQ), jnp.float32),
            pltpu.VMEM((ZROWS, HQ), jnp.float32),
            pltpu.SemaphoreType.DMA,
            pltpu.SemaphoreType.DMA,
            pltpu.SemaphoreType.DMA,
            pltpu.SemaphoreType.DMA,
        ],
        compiler_params=pltpu.CompilerParams(use_tc_tiling_on_sc=False),
    )(t4, sx, dx)


BRF = 1000


def _s1_body(xf_ref, wi2_ref, bi2_ref, wm2_ref, eix_ref, h0f_ref, tf_ref,
             sx_ref, dx_ref):
    i = pl.program_id(0)
    h0f = jnp.tanh(
        jnp.dot(xf_ref[...], wi2_ref[...], preferred_element_type=jnp.float32)
        + bi2_ref[...]
    )
    h0f_ref[...] = h0f
    tf_ref[...] = jnp.dot(h0f, wm2_ref[...],
                          preferred_element_type=jnp.float32)

    eid = i * BE + lax.broadcasted_iota(jnp.int32, (1, BE), 1)
    valid = eid < E
    src = eix_ref[0:1, :]
    dst = eix_ref[1:2, :]
    sx_ref[...] = jnp.where(valid, src, 0).reshape(1, 1, BE)
    dx_ref[...] = jnp.where(valid, dst, PAD_DST).reshape(1, 1, BE)


def _stage1(xf, W2_init, b2_init, W2_msg, edge_index):
    return pl.pallas_call(
        _s1_body,
        grid=(25,),
        in_specs=[
            pl.BlockSpec((BRF, 26), lambda i: (i, 0)),
            pl.BlockSpec((26, 2 * H), lambda i: (0, 0)),
            pl.BlockSpec((1, 2 * H), lambda i: (0, 0)),
            pl.BlockSpec((2 * H, 2 * H), lambda i: (0, 0)),
            pl.BlockSpec((2, BE), lambda i: (0, i)),
        ],
        out_specs=[
            pl.BlockSpec((BRF, 2 * H), lambda i: (i, 0)),
            pl.BlockSpec((BRF, 2 * H), lambda i: (i, 0)),
            pl.BlockSpec((1, 1, BE), lambda i: (i, 0, 0)),
            pl.BlockSpec((1, 1, BE), lambda i: (i, 0, 0)),
        ],
        out_shape=[
            jax.ShapeDtypeStruct((NF, 2 * H), jnp.float32),
            jax.ShapeDtypeStruct((T_ROWS // 2, 2 * H), jnp.float32),
            jax.ShapeDtypeStruct((25, 1, BE), jnp.int32),
            jax.ShapeDtypeStruct((25, 1, BE), jnp.int32),
        ],
    )(xf, W2_init, b2_init, W2_msg, edge_index)


def _s1b_body(h0f_ref, whr, whz, whn, uhr_ref, uhz_ref, uhn_ref):
    h0f = h0f_ref[...]

    def dot(a, b):
        return jnp.dot(a, b[...], preferred_element_type=jnp.float32)

    uhr_ref[...] = dot(h0f, whr)
    uhz_ref[...] = dot(h0f, whz)
    uhn_ref[...] = dot(h0f, whn)


def _stage1b(h0f, Wd_hr, Wd_hz, Wd_hn):
    full = pl.BlockSpec((2 * H, 2 * H), lambda i: (0, 0))
    rows = pl.BlockSpec((BRF, 2 * H), lambda i: (i, 0))
    out = jax.ShapeDtypeStruct((NF, 2 * H), jnp.float32)
    return pl.pallas_call(
        _s1b_body,
        grid=(25,),
        in_specs=[rows, full, full, full],
        out_specs=[rows, rows, rows],
        out_shape=[out, out, out],
    )(h0f, Wd_hr, Wd_hz, Wd_hn)


def _s3_body(mf_ref, h0f_ref, uhr_ref, uhz_ref, uhn_ref, wir, wiz, win, br,
             bz, bn, wg, wf, wfin, bfin, nn_ref, hg_ref, comb_ref):
    i = pl.program_id(0)
    mf = mf_ref[...]
    h0f = h0f_ref[...]

    def dot(a, b):
        return jnp.dot(a, b[...], preferred_element_type=jnp.float32)

    r = jax.nn.sigmoid(dot(mf, wir) + uhr_ref[...] + br[...])
    z = jax.nn.sigmoid(dot(mf, wiz) + uhz_ref[...] + bz[...])
    cand = jnp.tanh(dot(mf, win) + r * uhn_ref[...] + bn[...])
    h = (1.0 - z) * cand + z * h0f
    gate = jax.nn.sigmoid(dot(h, wg))
    feat = jnp.tanh(dot(h, wf))
    part = jnp.sum(gate * feat, axis=0, keepdims=True)

    @pl.when(i == 0)
    def _():
        hg_ref[...] = jnp.zeros_like(hg_ref)
        comb_ref[...] = jnp.zeros_like(comb_ref)

    hg_ref[...] += part

    @pl.when(i == pl.num_programs(0) - 1)
    def _():
        acc = hg_ref[...]
        hg64 = acc[:, 0:H] + acc[:, H:2 * H]
        cat = jnp.concatenate([hg64, nn_ref[...]], axis=1)
        comb_ref[...] = jnp.tanh(
            jnp.dot(cat, wfin[...], preferred_element_type=jnp.float32)
            + bfin[...]
        )


def _stage3(mf, h0f, uhr, uhz, uhn, nn, Wd_ir, Wd_iz, Wd_in, b2_r, b2_z,
            b2_n, Wd_gate, Wd_feat, W_final, b_final):
    full = pl.BlockSpec((2 * H, 2 * H), lambda i: (0, 0))
    vec2 = pl.BlockSpec((1, 2 * H), lambda i: (0, 0))
    vec = pl.BlockSpec((1, H), lambda i: (0, 0))
    rows = pl.BlockSpec((BRF, 2 * H), lambda i: (i, 0))
    return pl.pallas_call(
        _s3_body,
        grid=(25,),
        in_specs=[rows, rows, rows, rows, rows, full, full, full, vec2, vec2,
                  vec2, full, full, pl.BlockSpec((2 * H, H), lambda i: (0, 0)),
                  vec, vec],
        out_specs=[vec2, vec],
        out_shape=[
            jax.ShapeDtypeStruct((1, 2 * H), jnp.float32),
            jax.ShapeDtypeStruct((1, H), jnp.float32),
        ],
    )(mf, h0f, uhr, uhz, uhn, Wd_ir, Wd_iz, Wd_in, b2_r, b2_z, b2_n,
      Wd_gate, Wd_feat, W_final, b_final, nn)


def _blkdiag(W):
    z = jnp.zeros_like(W)
    return jnp.concatenate(
        [jnp.concatenate([W, z], axis=1), jnp.concatenate([z, W], axis=1)],
        axis=0,
    )


def kernel(x, edge_index, iteration, W_init, b_init, W_msg, W_ir, W_iz, W_in,
           W_hr, W_hz, W_hn, b_r, b_z, b_n, W_gate, W_feat, W_final, b_final):
    xf = x.reshape(NF, 26)
    b2 = lambda b: jnp.concatenate([b, b]).reshape(1, 2 * H)
    h0f, tf, sx, dx = _stage1(xf, _blkdiag(W_init), b2(b_init),
                              _blkdiag(W_msg), edge_index)

    t4 = tf.reshape(T_ROWS, 4, HQ)
    sx = sx.reshape(16, NMB, CPM, CHUNK)
    dx = dx.reshape(16, NMB, CPM, CHUNK)
    mf = _segment_sum(t4, sx, dx).reshape(M_PAD // 2, 2 * H)

    uhr, uhz, uhn = _stage1b(h0f, _blkdiag(W_hr), _blkdiag(W_hz),
                             _blkdiag(W_hn))

    nn = h0f[NF - 1:NF, H:2 * H]
    hgf, comb = _stage3(
        mf, h0f, uhr, uhz, uhn, nn, _blkdiag(W_ir), _blkdiag(W_iz),
        _blkdiag(W_in), b2(b_r), b2(b_z), b2(b_n), _blkdiag(W_gate),
        _blkdiag(W_feat), W_final, b_final.reshape(1, H),
    )
    hg_raw = hgf[:, 0:H] + hgf[:, H:2 * H]
    return jnp.where(iteration != 0, comb, hg_raw).reshape(H)

# --- scband reference (transcript-rebuilt; emitter-appended) ---
"""Pipeline reference for scband-graph-encoding-block-55362128445871 (READ-ONLY COPY).

The authoritative reference and input builder live on the scoring server;
editing this copy changes nothing except your own understanding.
"""

import jax, jax.numpy as jnp
import numpy as np

N = 50000
E = 800000
D_IN = 13
H = 64


def setup_inputs(seed: int = 0) -> dict:
    key = jax.random.key(seed)
    ks = jax.random.split(key, 24)
    x = jax.random.normal(ks[0], (N, D_IN), dtype=jnp.float32)
    edge_index = jax.random.randint(ks[1], (2, E), 0, N, dtype=jnp.int32)
    s = 0.05
    inp = {
        'x': x,
        'edge_index': edge_index,
        'iteration': 1,
        'W_init': jax.random.normal(ks[2], (D_IN, H), dtype=jnp.float32) * s,
        'b_init': jnp.zeros((H,), dtype=jnp.float32),
        'W_msg': jax.random.normal(ks[3], (H, H), dtype=jnp.float32) * s,
        'W_ir': jax.random.normal(ks[4], (H, H), dtype=jnp.float32) * s,
        'W_iz': jax.random.normal(ks[5], (H, H), dtype=jnp.float32) * s,
        'W_in': jax.random.normal(ks[6], (H, H), dtype=jnp.float32) * s,
        'W_hr': jax.random.normal(ks[7], (H, H), dtype=jnp.float32) * s,
        'W_hz': jax.random.normal(ks[8], (H, H), dtype=jnp.float32) * s,
        'W_hn': jax.random.normal(ks[9], (H, H), dtype=jnp.float32) * s,
        'b_r': jnp.zeros((H,), dtype=jnp.float32),
        'b_z': jnp.zeros((H,), dtype=jnp.float32),
        'b_n': jnp.zeros((H,), dtype=jnp.float32),
        'W_gate': jax.random.normal(ks[10], (H, H), dtype=jnp.float32) * s,
        'W_feat': jax.random.normal(ks[11], (H, H), dtype=jnp.float32) * s,
        'W_final': jax.random.normal(ks[12], (2 * H, H), dtype=jnp.float32) * s,
        'b_final': jnp.zeros((H,), dtype=jnp.float32),
    }
    return inp


def reference(x, edge_index, iteration, W_init, b_init, W_msg, W_ir, W_iz, W_in,
              W_hr, W_hz, W_hn, b_r, b_z, b_n, W_gate, W_feat, W_final, b_final):
    n = x.shape[0]
    # hidden_state_init: project 13-d node features to 64-d hidden state
    h0 = jnp.tanh(x @ W_init + b_init)
    new_node_h0 = h0[-1]
    # GRU_graph_enc: one round of message passing (scatter-add) + GRU cell update
    src = edge_index[0]
    dst = edge_index[1]
    msgs = h0[src] @ W_msg
    m = jax.ops.segment_sum(msgs, dst, num_segments=n)
    r = jax.nn.sigmoid(m @ W_ir + h0 @ W_hr + b_r)
    z = jax.nn.sigmoid(m @ W_iz + h0 @ W_hz + b_z)
    cand = jnp.tanh(m @ W_in + r * (h0 @ W_hn) + b_n)
    h = (1.0 - z) * cand + z * h0
    # aggr_graph: gated-sum graph readout
    gate = jax.nn.sigmoid(h @ W_gate)
    feat = jnp.tanh(h @ W_feat)
    h_G = jnp.sum(gate * feat, axis=0)
    # aggr_graph_new_node: combine graph encoding with new-node hidden state
    h_G_combined = jnp.tanh(jnp.concatenate([h_G, new_node_h0], axis=0) @ W_final + b_final)
    h_G = jnp.where(iteration != 0, h_G_combined, h_G)
    return h_G

if __name__ == "__main__":
    import jax
    _d = setup_inputs()
    print(jax.jit(kernel)(*tuple(_d.values())))

</pallas_src>

<mosaic_0001>
#map = affine_map<(d0, d1) -> (0, 0, 0)>
#map1 = affine_map<(d0, d1) -> (0, 0, 0, 0)>
module attributes {stable_mosaic.version = 14 : i64} {
  func.func @_seg_body(%arg0: i32, %arg1: i32, %arg2: memref<50176x4x16xf32, #tpu.memory_space<hbm>>, %arg3: memref<16x10x10x512xi32, #tpu.memory_space<hbm>>, %arg4: memref<16x10x10x512xi32, #tpu.memory_space<hbm>>, %arg5: memref<50048x4x16xf32, #tpu.memory_space<hbm>>, %arg6: memref<50176x16xf32, #tpu.memory_space<vmem_shared>>, %arg7: memref<50176x16xf32, #tpu.memory_space<vmem_shared>>, %arg8: memref<10x512xi32, #tpu.memory_space<vmem>>, %arg9: memref<10x512xi32, #tpu.memory_space<vmem>>, %arg10: memref<1x512x16xf32, #tpu.memory_space<vmem>>, %arg11: memref<1x512x16xf32, #tpu.memory_space<vmem>>, %arg12: memref<64x16xf32, #tpu.memory_space<vmem>>, %arg13: memref<!tpu.dma_semaphore, #tpu.memory_space<semaphore_mem>>, %arg14: memref<!tpu.dma_semaphore, #tpu.memory_space<semaphore_mem>>, %arg15: memref<!tpu.dma_semaphore, #tpu.memory_space<semaphore_mem>>, %arg16: memref<!tpu.dma_semaphore, #tpu.memory_space<semaphore_mem>>) attributes {dimension_semantics = [#tpu.dimension_semantics<core_parallel>, #tpu.dimension_semantics<subcore_parallel>], iteration_bounds = array<i64: 2, 16>, scalar_prefetch = 0 : i64, scratch_operands = 11 : i64, tpu.core_type = #tpu.core_type<sc_vector_subcore>, window_params = [{transform_indices = #map}, {transform_indices = #map1}, {transform_indices = #map1}, {transform_indices = #map}]} {
    %broadcast_in_dim3A = arith.constant 0.000000e+00 : f32
    %broadcast_in_dim3A_0 = vector.broadcast %broadcast_in_dim3A : f32 to vector<16xf32>
    %scan3A = arith.constant 0 : i32
    %scan3A_1 = arith.constant 0 : i32
    %scan3A_2 = arith.constant 64 : i32
    %scan3A_3 = arith.addi %scan3A_1, %scan3A_2 : i32
    %scan3A_4 = arith.constant 1 : i32
    scf.for %scan3A_104 = %scan3A_1 to %scan3A_3 step %scan3A_4  : i32 {
      %swap3A = arith.index_cast %scan3A_104 : i32 to index
      %swap3A_105 = arith.constant 0 : index
      %swap3A_106 = tpu.vector_load %arg12[%swap3A, %swap3A_105] {strides = array<i32>} : memref<64x16xf32, #tpu.memory_space<vmem>>, vector<1x16xf32>,
      %swap3A_107 = vector.shape_cast %swap3A_106 : vector<1x16xf32> to vector<16xf32>
      %swap3A_108 = vector.shape_cast %broadcast_in_dim3A_0 : vector<16xf32> to vector<1x16xf32>
      tpu.vector_store %arg12[%swap3A, %swap3A_105], %swap3A_108 {strides = array<i32>} : memref<64x16xf32, #tpu.memory_space<vmem>>, vector<1x16xf32>,
    }
    %scan3A_5 = arith.constant 64 : i32
    %mul3A = arith.constant 2 : i32
    %mul3A_6 = arith.muli %mul3A, %arg0 : i32
    %add3A = arith.constant 0 : i32
    %add3A_7 = arith.addi %mul3A_6, %add3A : i32
    %scan3A_8 = arith.constant 0 : i32
    %scan3A_9 = arith.constant 0 : i32
    %scan3A_10 = arith.constant 49 : i32
    %scan3A_11 = arith.addi %scan3A_9, %scan3A_10 : i32
    %scan3A_12 = arith.constant 1 : i32
    scf.for %scan3A_104 = %scan3A_9 to %scan3A_11 step %scan3A_12  : i32 {
      %mul3A_105 = arith.constant 3136 : i32
      %mul3A_106 = arith.muli %arg1, %mul3A_105 : i32
      %mul3A_107 = arith.constant 64 : i32
      %mul3A_108 = arith.muli %scan3A_104, %mul3A_107 : i32
      %add3A_109 = arith.addi %mul3A_106, %mul3A_108 : i32
      "tpu.region"() ({
        %run_scoped3A = tpu.sem_alloc : memref<!tpu.dma_semaphore, #tpu.memory_space<semaphore_mem>>
        %dma_start3A = arith.constant 0 : i32
        %dma_start3A_110 = tpu.memref_slice %arg7[%add3A_109, %dma_start3A] : memref<50176x16xf32, #tpu.memory_space<vmem_shared>> -> memref<64x16xf32, #tpu.memory_space<vmem_shared>>
        %dma_start3A_111 = arith.constant 0 : i32
        %dma_start3A_112 = tpu.memref_slice %arg7[%add3A_109, %dma_start3A_111] : memref<50176x16xf32, #tpu.memory_space<vmem_shared>> -> memref<64x16xf32, #tpu.memory_space<vmem_shared>>
        tpu.enqueue_dma source(%arg12 : memref<64x16xf32, #tpu.memory_space<vmem>>) target(%dma_start3A_112 : memref<64x16xf32, #tpu.memory_space<vmem_shared>>) target_semaphore(%run_scoped3A : memref<!tpu.dma_semaphore, #tpu.memory_space<semaphore_mem>>)
        %dma_wait3A_113 = arith.constant 0 : i32
        %dma_wait3A_114 = tpu.memref_slice %arg7[%add3A_109, %dma_wait3A_113] : memref<50176x16xf32, #tpu.memory_space<vmem_shared>> -> memref<64x16xf32, #tpu.memory_space<vmem_shared>>
        %dma_wait3A_115 = arith.constant 0 : i32
        %dma_wait3A_116 = tpu.memref_slice %arg7[%add3A_109, %dma_wait3A_115] : memref<50176x16xf32, #tpu.memory_space<vmem_shared>> -> memref<64x16xf32, #tpu.memory_space<vmem_shared>>
        tpu.wait_dma2 semaphore(%run_scoped3A : memref<!tpu.dma_semaphore, #tpu.memory_space<semaphore_mem>>) src(%arg12 : memref<64x16xf32, #tpu.memory_space<vmem>>) dst(%dma_wait3A_116 : memref<64x16xf32, #tpu.memory_space<vmem_shared>>)
        tpu.yield
      }) : () -> ()
    }
    %scan3A_13 = arith.constant 49 : i32
    %mul3A_14 = arith.constant 3136 : i32
    %mul3A_15 = arith.muli %arg1, %mul3A_14 : i32
    %mul3A_16 = arith.constant 3136 : i32
    %mul3A_17 = arith.muli %arg1, %mul3A_16 : i32
    "tpu.region"() ({
      %run_scoped3A = tpu.sem_alloc : memref<!tpu.dma_semaphore, #tpu.memory_space<semaphore_mem>>
      %dma_start3A = arith.constant 0 : i32
      %dma_start3A_104 = tpu.memref_slice %arg6[%mul3A_17, %dma_start3A] : memref<50176x16xf32, #tpu.memory_space<vmem_shared>> -> memref<3136x16xf32, #tpu.memory_space<vmem_shared>>
      %dma_start3A_105 = arith.constant 0 : i32
      %dma_start3A_106 = tpu.memref_slice %arg2[%mul3A_15, %add3A_7, %dma_start3A_105] : memref<50176x4x16xf32, #tpu.memory_space<hbm>> -> memref<3136x1x16xf32, #tpu.memory_space<hbm>>
      %dma_start3A_107 = tpu.memref_squeeze %dma_start3A_106 : memref<3136x1x16xf32, #tpu.memory_space<hbm>> -> memref<3136x16xf32, #tpu.memory_space<hbm>>
      tpu.enqueue_dma source(%dma_start3A_107 : memref<3136x16xf32, #tpu.memory_space<hbm>>) target(%dma_start3A_104 : memref<3136x16xf32, #tpu.memory_space<vmem_shared>>) target_semaphore(%run_scoped3A : memref<!tpu.dma_semaphore, #tpu.memory_space<semaphore_mem>>)
      %dma_wait3A_108 = arith.constant 0 : i32
      %dma_wait3A_109 = tpu.memref_slice %arg6[%mul3A_17, %dma_wait3A_108] : memref<50176x16xf32, #tpu.memory_space<vmem_shared>> -> memref<3136x16xf32, #tpu.memory_space<vmem_shared>>
      %dma_wait3A_110 = arith.constant 0 : i32
      %dma_wait3A_111 = tpu.memref_slice %arg2[%mul3A_15, %add3A_7, %dma_wait3A_110] : memref<50176x4x16xf32, #tpu.memory_space<hbm>> -> memref<3136x1x16xf32, #tpu.memory_space<hbm>>
      %dma_wait3A_112 = tpu.memref_squeeze %dma_wait3A_111 : memref<3136x1x16xf32, #tpu.memory_space<hbm>> -> memref<3136x16xf32, #tpu.memory_space<hbm>>
      tpu.wait_dma2 semaphore(%run_scoped3A : memref<!tpu.dma_semaphore, #tpu.memory_space<semaphore_mem>>) src(%dma_wait3A_112 : memref<3136x16xf32, #tpu.memory_space<hbm>>) dst(%dma_wait3A_109 : memref<3136x16xf32, #tpu.memory_space<vmem_shared>>)
      tpu.yield
    }) : () -> ()
    %barrier3A = arith.constant 0 : index
    tpu.barrier barrier_id(%barrier3A)
    %scan3A_18 = arith.constant 0 : i32
    %scan3A_19 = arith.constant 0 : i32
    %scan3A_20 = arith.constant 10 : i32
    %scan3A_21 = arith.addi %scan3A_19, %scan3A_20 : i32
    %scan3A_22 = arith.constant 1 : i32
    scf.for %scan3A_104 = %scan3A_19 to %scan3A_21 step %scan3A_22  : i32 {
      %gt3A = arith.constant 0 : i32
      %gt3A_105 = arith.cmpi sgt, %scan3A_104, %gt3A : i32
      %convert_element_type3A = arith.extui %gt3A_105 : i1 to i32
      %cond3A = arith.constant 0 : i32
      %cond3A_106 = arith.cmpi ne, %convert_element_type3A, %cond3A : i32
      scf.if %cond3A_106 {
        %dma_wait3A_113 = arith.constant 0 : i32
        %dma_wait3A_114 = arith.constant 0 : i32
        %dma_wait3A_115 = arith.constant 0 : i32
        %dma_wait3A_116 = arith.constant 0 : i32
        %dma_wait3A_117 = tpu.memref_slice %arg10[%dma_wait3A_113, %dma_wait3A_115, %dma_wait3A_116] : memref<1x512x16xf32, #tpu.memory_space<vmem>> -> memref<1x512x16xf32, #tpu.memory_space<vmem>>
        %dma_wait3A_118 = tpu.memref_squeeze %dma_wait3A_117 : memref<1x512x16xf32, #tpu.memory_space<vmem>> -> memref<512x16xf32, #tpu.memory_space<vmem>>
        %dma_wait3A_119 = arith.constant 0 : i32
        %dma_wait3A_120 = tpu.memref_slice %arg9[%dma_wait3A_114, %dma_wait3A_119] : memref<10x512xi32, #tpu.memory_space<vmem>> -> memref<1x512xi32, #tpu.memory_space<vmem>>
        %dma_wait3A_121 = tpu.memref_squeeze %dma_wait3A_120 : memref<1x512xi32, #tpu.memory_space<vmem>> -> memref<512xi32, #tpu.memory_space<vmem>>
        %dma_wait3A_122 = arith.constant 0 : i32
        %dma_wait3A_123 = arith.constant 0 : i32
        %dma_wait3A_124 = tpu.memref_slice %arg7[%dma_wait3A_122, %dma_wait3A_123] : memref<50176x16xf32, #tpu.memory_space<vmem_shared>> -> memref<50176x16xf32, #tpu.memory_space<vmem_shared>>
        tpu.wait_indirect_dma semaphore(%arg15 : memref<!tpu.dma_semaphore, #tpu.memory_space<semaphore_mem>>) src(%dma_wait3A_118 : memref<512x16xf32, #tpu.memory_space<vmem>>) dst(%dma_wait3A_124 : memref<50176x16xf32, #tpu.memory_space<vmem_shared>>)
        %dma_wait3A_125 = arith.constant 0 : i32
        %dma_wait3A_126 = arith.constant 0 : i32
        %dma_wait3A_127 = arith.constant 0 : i32
        %dma_wait3A_128 = arith.constant 0 : i32
        %dma_wait3A_129 = tpu.memref_slice %arg11[%dma_wait3A_125, %dma_wait3A_127, %dma_wait3A_128] : memref<1x512x16xf32, #tpu.memory_space<vmem>> -> memref<1x512x16xf32, #tpu.memory_space<vmem>>
        %dma_wait3A_130 = tpu.memref_squeeze %dma_wait3A_129 : memref<1x512x16xf32, #tpu.memory_space<vmem>> -> memref<512x16xf32, #tpu.memory_space<vmem>>
        %dma_wait3A_131 = arith.constant 0 : i32
        %dma_wait3A_132 = tpu.memref_slice %arg9[%dma_wait3A_126, %dma_wait3A_131] : memref<10x512xi32, #tpu.memory_space<vmem>> -> memref<1x512xi32, #tpu.memory_space<vmem>>
        %dma_wait3A_133 = tpu.memref_squeeze %dma_wait3A_132 : memref<1x512xi32, #tpu.memory_space<vmem>> -> memref<512xi32, #tpu.memory_space<vmem>>
        %dma_wait3A_134 = arith.constant 0 : i32
        %dma_wait3A_135 = arith.constant 0 : i32
        %dma_wait3A_136 = tpu.memref_slice %arg7[%dma_wait3A_134, %dma_wait3A_135] : memref<50176x16xf32, #tpu.memory_space<vmem_shared>> -> memref<50176x16xf32, #tpu.memory_space<vmem_shared>>
        tpu.wait_indirect_dma semaphore(%arg16 : memref<!tpu.dma_semaphore, #tpu.memory_space<semaphore_mem>>) src(%dma_wait3A_130 : memref<512x16xf32, #tpu.memory_space<vmem>>) dst(%dma_wait3A_136 : memref<50176x16xf32, #tpu.memory_space<vmem_shared>>)
      } else {
      }
      "tpu.region"() ({
        %run_scoped3A = tpu.sem_alloc : memref<!tpu.dma_semaphore, #tpu.memory_space<semaphore_mem>>
        %dma_start3A = arith.constant 0 : i32
        %dma_start3A_113 = arith.constant 0 : i32
        %dma_start3A_114 = tpu.memref_slice %arg3[%arg1, %scan3A_104, %dma_start3A, %dma_start3A_113] : memref<16x10x10x512xi32, #tpu.memory_space<hbm>> -> memref<1x1x10x512xi32, #tpu.memory_space<hbm>>
        %dma_start3A_115 = tpu.memref_squeeze %dma_start3A_114 : memref<1x1x10x512xi32, #tpu.memory_space<hbm>> -> memref<10x512xi32, #tpu.memory_space<hbm>>
        %dma_start3A_116 = arith.constant 0 : i32
        %dma_start3A_117 = arith.constant 0 : i32
        %dma_start3A_118 = tpu.memref_slice %arg3[%arg1, %scan3A_104, %dma_start3A_116, %dma_start3A_117] : memref<16x10x10x512xi32, #tpu.memory_space<hbm>> -> memref<1x1x10x512xi32, #tpu.memory_space<hbm>>
        %dma_start3A_119 = tpu.memref_squeeze %dma_start3A_118 : memref<1x1x10x512xi32, #tpu.memory_space<hbm>> -> memref<10x512xi32, #tpu.memory_space<hbm>>
        tpu.enqueue_dma source(%dma_start3A_119 : memref<10x512xi32, #tpu.memory_space<hbm>>) target(%arg8 : memref<10x512xi32, #tpu.memory_space<vmem>>) target_semaphore(%run_scoped3A : memref<!tpu.dma_semaphore, #tpu.memory_space<semaphore_mem>>)
        %dma_wait3A_120 = arith.constant 0 : i32
        %dma_wait3A_121 = arith.constant 0 : i32
        %dma_wait3A_122 = tpu.memref_slice %arg3[%arg1, %scan3A_104, %dma_wait3A_120, %dma_wait3A_121] : memref<16x10x10x512xi32, #tpu.memory_space<hbm>> -> memref<1x1x10x512xi32, #tpu.memory_space<hbm>>
        %dma_wait3A_123 = tpu.memref_squeeze %dma_wait3A_122 : memref<1x1x10x512xi32, #tpu.memory_space<hbm>> -> memref<10x512xi32, #tpu.memory_space<hbm>>
        %dma_wait3A_124 = arith.constant 0 : i32
        %dma_wait3A_125 = arith.constant 0 : i32
        %dma_wait3A_126 = tpu.memref_slice %arg3[%arg1, %scan3A_104, %dma_wait3A_124, %dma_wait3A_125] : memref<16x10x10x512xi32, #tpu.memory_space<hbm>> -> memref<1x1x10x512xi32, #tpu.memory_space<hbm>>
        %dma_wait3A_127 = tpu.memref_squeeze %dma_wait3A_126 : memref<1x1x10x512xi32, #tpu.memory_space<hbm>> -> memref<10x512xi32, #tpu.memory_space<hbm>>
        tpu.wait_dma2 semaphore(%run_scoped3A : memref<!tpu.dma_semaphore, #tpu.memory_space<semaphore_mem>>) src(%dma_wait3A_127 : memref<10x512xi32, #tpu.memory_space<hbm>>) dst(%arg8 : memref<10x512xi32, #tpu.memory_space<vmem>>)
        tpu.yield
      }) : () -> ()
      "tpu.region"() ({
        %run_scoped3A = tpu.sem_alloc : memref<!tpu.dma_semaphore, #tpu.memory_space<semaphore_mem>>
        %dma_start3A = arith.constant 0 : i32
        %dma_start3A_113 = arith.constant 0 : i32
        %dma_start3A_114 = tpu.memref_slice %arg4[%arg1, %scan3A_104, %dma_start3A, %dma_start3A_113] : memref<16x10x10x512xi32, #tpu.memory_space<hbm>> -> memref<1x1x10x512xi32, #tpu.memory_space<hbm>>
        %dma_start3A_115 = tpu.memref_squeeze %dma_start3A_114 : memref<1x1x10x512xi32, #tpu.memory_space<hbm>> -> memref<10x512xi32, #tpu.memory_space<hbm>>
        %dma_start3A_116 = arith.constant 0 : i32
        %dma_start3A_117 = arith.constant 0 : i32
        %dma_start3A_118 = tpu.memref_slice %arg4[%arg1, %scan3A_104, %dma_start3A_116, %dma_start3A_117] : memref<16x10x10x512xi32, #tpu.memory_space<hbm>> -> memref<1x1x10x512xi32, #tpu.memory_space<hbm>>
        %dma_start3A_119 = tpu.memref_squeeze %dma_start3A_118 : memref<1x1x10x512xi32, #tpu.memory_space<hbm>> -> memref<10x512xi32, #tpu.memory_space<hbm>>
        tpu.enqueue_dma source(%dma_start3A_119 : memref<10x512xi32, #tpu.memory_space<hbm>>) target(%arg9 : memref<10x512xi32, #tpu.memory_space<vmem>>) target_semaphore(%run_scoped3A : memref<!tpu.dma_semaphore, #tpu.memory_space<semaphore_mem>>)
        %dma_wait3A_120 = arith.constant 0 : i32
        %dma_wait3A_121 = arith.constant 0 : i32
        %dma_wait3A_122 = tpu.memref_slice %arg4[%arg1, %scan3A_104, %dma_wait3A_120, %dma_wait3A_121] : memref<16x10x10x512xi32, #tpu.memory_space<hbm>> -> memref<1x1x10x512xi32, #tpu.memory_space<hbm>>
        %dma_wait3A_123 = tpu.memref_squeeze %dma_wait3A_122 : memref<1x1x10x512xi32, #tpu.memory_space<hbm>> -> memref<10x512xi32, #tpu.memory_space<hbm>>
        %dma_wait3A_124 = arith.constant 0 : i32
        %dma_wait3A_125 = arith.constant 0 : i32
        %dma_wait3A_126 = tpu.memref_slice %arg4[%arg1, %scan3A_104, %dma_wait3A_124, %dma_wait3A_125] : memref<16x10x10x512xi32, #tpu.memory_space<hbm>> -> memref<1x1x10x512xi32, #tpu.memory_space<hbm>>
        %dma_wait3A_127 = tpu.memref_squeeze %dma_wait3A_126 : memref<1x1x10x512xi32, #tpu.memory_space<hbm>> -> memref<10x512xi32, #tpu.memory_space<hbm>>
        tpu.wait_dma2 semaphore(%run_scoped3A : memref<!tpu.dma_semaphore, #tpu.memory_space<semaphore_mem>>) src(%dma_wait3A_127 : memref<10x512xi32, #tpu.memory_space<hbm>>) dst(%arg9 : memref<10x512xi32, #tpu.memory_space<vmem>>)
        tpu.yield
      }) : () -> ()
      %scan3A_107 = arith.constant 0 : i32
      %scan3A_108 = arith.constant 0 : i32
      %scan3A_109 = arith.constant 5 : i32
      %scan3A_110 = arith.addi %scan3A_108, %scan3A_109 : i32
      %scan3A_111 = arith.constant 1 : i32
      scf.for %scan3A_113 = %scan3A_108 to %scan3A_110 step %scan3A_111  : i32 {
        %mul3A_114 = arith.constant 2 : i32
        %mul3A_115 = arith.muli %mul3A_114, %scan3A_113 : i32
        %add3A_116 = arith.constant 0 : i32
        %add3A_117 = arith.addi %mul3A_115, %add3A_116 : i32
        %ge3A = arith.constant 2 : i32
        %ge3A_118 = arith.cmpi sge, %add3A_117, %ge3A : i32
        %convert_element_type3A_119 = arith.extui %ge3A_118 : i1 to i32
        %cond3A_120 = arith.constant 0 : i32
        %cond3A_121 = arith.cmpi ne, %convert_element_type3A_119, %cond3A_120 : i32
        scf.if %cond3A_121 {
          %dma_wait3A_212 = arith.constant 0 : i32
          %dma_wait3A_213 = arith.constant 0 : i32
          %dma_wait3A_214 = arith.constant 0 : i32
          %dma_wait3A_215 = arith.constant 0 : i32
          %dma_wait3A_216 = tpu.memref_slice %arg10[%dma_wait3A_212, %dma_wait3A_214, %dma_wait3A_215] : memref<1x512x16xf32, #tpu.memory_space<vmem>> -> memref<1x512x16xf32, #tpu.memory_space<vmem>>
          %dma_wait3A_217 = tpu.memref_squeeze %dma_wait3A_216 : memref<1x512x16xf32, #tpu.memory_space<vmem>> -> memref<512x16xf32, #tpu.memory_space<vmem>>
          %dma_wait3A_218 = arith.constant 0 : i32
          %dma_wait3A_219 = tpu.memref_slice %arg9[%dma_wait3A_213, %dma_wait3A_218] : memref<10x512xi32, #tpu.memory_space<vmem>> -> memref<1x512xi32, #tpu.memory_space<vmem>>
          %dma_wait3A_220 = tpu.memref_squeeze %dma_wait3A_219 : memref<1x512xi32, #tpu.memory_space<vmem>> -> memref<512xi32, #tpu.memory_space<vmem>>
          %dma_wait3A_221 = arith.constant 0 : i32
          %dma_wait3A_222 = arith.constant 0 : i32
          %dma_wait3A_223 = tpu.memref_slice %arg7[%dma_wait3A_221, %dma_wait3A_222] : memref<50176x16xf32, #tpu.memory_space<vmem_shared>> -> memref<50176x16xf32, #tpu.memory_space<vmem_shared>>
          tpu.wait_indirect_dma semaphore(%arg15 : memref<!tpu.dma_semaphore, #tpu.memory_space<semaphore_mem>>) src(%dma_wait3A_217 : memref<512x16xf32, #tpu.memory_space<vmem>>) dst(%dma_wait3A_223 : memref<50176x16xf32, #tpu.memory_space<vmem_shared>>)
        } else {
        }
        %mul3A_122 = arith.constant 1 : i32
        %mul3A_123 = arith.muli %add3A_117, %mul3A_122 : i32
        %add3A_124 = arith.constant 0 : i32
        %add3A_125 = arith.addi %mul3A_123, %add3A_124 : i32
        %dma_start3A = arith.constant 0 : i32
        %dma_start3A_126 = arith.constant 0 : i32
        %dma_start3A_127 = arith.constant 0 : i32
        %dma_start3A_128 = tpu.memref_slice %arg10[%dma_start3A, %dma_start3A_126, %dma_start3A_127] : memref<1x512x16xf32, #tpu.memory_space<vmem>> -> memref<1x512x16xf32, #tpu.memory_space<vmem>>
        %dma_start3A_129 = tpu.memref_squeeze %dma_start3A_128 : memref<1x512x16xf32, #tpu.memory_space<vmem>> -> memref<512x16xf32, #tpu.memory_space<vmem>>
        %dma_start3A_130 = arith.constant 0 : i32
        %dma_start3A_131 = tpu.memref_slice %arg8[%add3A_125, %dma_start3A_130] : memref<10x512xi32, #tpu.memory_space<vmem>> -> memref<1x512xi32, #tpu.memory_space<vmem>>
        %dma_start3A_132 = tpu.memref_squeeze %dma_start3A_131 : memref<1x512xi32, #tpu.memory_space<vmem>> -> memref<512xi32, #tpu.memory_space<vmem>>
        %dma_start3A_133 = arith.constant 0 : i32
        %dma_start3A_134 = arith.constant 0 : i32
        %dma_start3A_135 = tpu.memref_slice %arg6[%dma_start3A_133, %dma_start3A_134] : memref<50176x16xf32, #tpu.memory_space<vmem_shared>> -> memref<50176x16xf32, #tpu.memory_space<vmem_shared>>
        tpu.enqueue_indirect_dma source(%dma_start3A_135 : memref<50176x16xf32, #tpu.memory_space<vmem_shared>>) target(%dma_start3A_129 : memref<512x16xf32, #tpu.memory_space<vmem>>) offsets(%dma_start3A_132 : memref<512xi32, #tpu.memory_space<vmem>>) semaphore(%arg13 : memref<!tpu.dma_semaphore, #tpu.memory_space<semaphore_mem>>)
        %dma_wait3A_136 = arith.constant 0 : i32
        %dma_wait3A_137 = arith.constant 0 : i32
        %dma_wait3A_138 = arith.constant 0 : i32
        %dma_wait3A_139 = tpu.memref_slice %arg10[%dma_wait3A_136, %dma_wait3A_137, %dma_wait3A_138] : memref<1x512x16xf32, #tpu.memory_space<vmem>> -> memref<1x512x16xf32, #tpu.memory_space<vmem>>
        %dma_wait3A_140 = tpu.memref_squeeze %dma_wait3A_139 : memref<1x512x16xf32, #tpu.memory_space<vmem>> -> memref<512x16xf32, #tpu.memory_space<vmem>>
        %dma_wait3A_141 = arith.constant 0 : i32
        %dma_wait3A_142 = tpu.memref_slice %arg8[%add3A_125, %dma_wait3A_141] : memref<10x512xi32, #tpu.memory_space<vmem>> -> memref<1x512xi32, #tpu.memory_space<vmem>>
        %dma_wait3A_143 = tpu.memref_squeeze %dma_wait3A_142 : memref<1x512xi32, #tpu.memory_space<vmem>> -> memref<512xi32, #tpu.memory_space<vmem>>
        %dma_wait3A_144 = arith.constant 0 : i32
        %dma_wait3A_145 = arith.constant 0 : i32
        %dma_wait3A_146 = tpu.memref_slice %arg6[%dma_wait3A_144, %dma_wait3A_145] : memref<50176x16xf32, #tpu.memory_space<vmem_shared>> -> memref<50176x16xf32, #tpu.memory_space<vmem_shared>>
        tpu.wait_indirect_dma semaphore(%arg13 : memref<!tpu.dma_semaphore, #tpu.memory_space<semaphore_mem>>) src(%dma_wait3A_146 : memref<50176x16xf32, #tpu.memory_space<vmem_shared>>) dst(%dma_wait3A_140 : memref<512x16xf32, #tpu.memory_space<vmem>>)
        %mul3A_147 = arith.constant 1 : i32
        %mul3A_148 = arith.muli %add3A_117, %mul3A_147 : i32
        %add3A_149 = arith.constant 0 : i32
        %add3A_150 = arith.addi %mul3A_148, %add3A_149 : i32
        %dma_start3A_151 = arith.constant 0 : i32
        %dma_start3A_152 = arith.constant 0 : i32
        %dma_start3A_153 = arith.constant 0 : i32
        %dma_start3A_154 = tpu.memref_slice %arg10[%dma_start3A_151, %dma_start3A_152, %dma_start3A_153] : memref<1x512x16xf32, #tpu.memory_space<vmem>> -> memref<1x512x16xf32, #tpu.memory_space<vmem>>
        %dma_start3A_155 = tpu.memref_squeeze %dma_start3A_154 : memref<1x512x16xf32, #tpu.memory_space<vmem>> -> memref<512x16xf32, #tpu.memory_space<vmem>>
        %dma_start3A_156 = arith.constant 0 : i32
        %dma_start3A_157 = tpu.memref_slice %arg9[%add3A_150, %dma_start3A_156] : memref<10x512xi32, #tpu.memory_space<vmem>> -> memref<1x512xi32, #tpu.memory_space<vmem>>
        %dma_start3A_158 = tpu.memref_squeeze %dma_start3A_157 : memref<1x512xi32, #tpu.memory_space<vmem>> -> memref<512xi32, #tpu.memory_space<vmem>>
        %dma_start3A_159 = arith.constant 0 : i32
        %dma_start3A_160 = arith.constant 0 : i32
        %dma_start3A_161 = tpu.memref_slice %arg7[%dma_start3A_159, %dma_start3A_160] : memref<50176x16xf32, #tpu.memory_space<vmem_shared>> -> memref<50176x16xf32, #tpu.memory_space<vmem_shared>>
        tpu.enqueue_indirect_dma source(%dma_start3A_155 : memref<512x16xf32, #tpu.memory_space<vmem>>) target(%dma_start3A_161 : memref<50176x16xf32, #tpu.memory_space<vmem_shared>>) offsets(%dma_start3A_158 : memref<512xi32, #tpu.memory_space<vmem>>) semaphore(%arg15 : memref<!tpu.dma_semaphore, #tpu.memory_space<semaphore_mem>>) {add = true}
        %mul3A_162 = arith.constant 2 : i32
        %mul3A_163 = arith.muli %mul3A_162, %scan3A_113 : i32
        %add3A_164 = arith.constant 1 : i32
        %add3A_165 = arith.addi %mul3A_163, %add3A_164 : i32
        %ge3A_166 = arith.constant 2 : i32
        %ge3A_167 = arith.cmpi sge, %add3A_165, %ge3A_166 : i32
        %convert_element_type3A_168 = arith.extui %ge3A_167 : i1 to i32
        %cond3A_169 = arith.constant 0 : i32
        %cond3A_170 = arith.cmpi ne, %convert_element_type3A_168, %cond3A_169 : i32
        scf.if %cond3A_170 {
          %dma_wait3A_212 = arith.constant 0 : i32
          %dma_wait3A_213 = arith.constant 0 : i32
          %dma_wait3A_214 = arith.constant 0 : i32
          %dma_wait3A_215 = arith.constant 0 : i32
          %dma_wait3A_216 = tpu.memref_slice %arg11[%dma_wait3A_212, %dma_wait3A_214, %dma_wait3A_215] : memref<1x512x16xf32, #tpu.memory_space<vmem>> -> memref<1x512x16xf32, #tpu.memory_space<vmem>>
          %dma_wait3A_217 = tpu.memref_squeeze %dma_wait3A_216 : memref<1x512x16xf32, #tpu.memory_space<vmem>> -> memref<512x16xf32, #tpu.memory_space<vmem>>
          %dma_wait3A_218 = arith.constant 0 : i32
          %dma_wait3A_219 = tpu.memref_slice %arg9[%dma_wait3A_213, %dma_wait3A_218] : memref<10x512xi32, #tpu.memory_space<vmem>> -> memref<1x512xi32, #tpu.memory_space<vmem>>
          %dma_wait3A_220 = tpu.memref_squeeze %dma_wait3A_219 : memref<1x512xi32, #tpu.memory_space<vmem>> -> memref<512xi32, #tpu.memory_space<vmem>>
          %dma_wait3A_221 = arith.constant 0 : i32
          %dma_wait3A_222 = arith.constant 0 : i32
          %dma_wait3A_223 = tpu.memref_slice %arg7[%dma_wait3A_221, %dma_wait3A_222] : memref<50176x16xf32, #tpu.memory_space<vmem_shared>> -> memref<50176x16xf32, #tpu.memory_space<vmem_shared>>
          tpu.wait_indirect_dma semaphore(%arg16 : memref<!tpu.dma_semaphore, #tpu.memory_space<semaphore_mem>>) src(%dma_wait3A_217 : memref<512x16xf32, #tpu.memory_space<vmem>>) dst(%dma_wait3A_223 : memref<50176x16xf32, #tpu.memory_space<vmem_shared>>)
        } else {
        }
        %mul3A_171 = arith.constant 1 : i32
        %mul3A_172 = arith.muli %add3A_165, %mul3A_171 : i32
        %add3A_173 = arith.constant 0 : i32
        %add3A_174 = arith.addi %mul3A_172, %add3A_173 : i32
        %dma_start3A_175 = arith.constant 0 : i32
        %dma_start3A_176 = arith.constant 0 : i32
        %dma_start3A_177 = arith.constant 0 : i32
        %dma_start3A_178 = tpu.memref_slice %arg11[%dma_start3A_175, %dma_start3A_176, %dma_start3A_177] : memref<1x512x16xf32, #tpu.memory_space<vmem>> -> memref<1x512x16xf32, #tpu.memory_space<vmem>>
        %dma_start3A_179 = tpu.memref_squeeze %dma_start3A_178 : memref<1x512x16xf32, #tpu.memory_space<vmem>> -> memref<512x16xf32, #tpu.memory_space<vmem>>
        %dma_start3A_180 = arith.constant 0 : i32
        %dma_start3A_181 = tpu.memref_slice %arg8[%add3A_174, %dma_start3A_180] : memref<10x512xi32, #tpu.memory_space<vmem>> -> memref<1x512xi32, #tpu.memory_space<vmem>>
        %dma_start3A_182 = tpu.memref_squeeze %dma_start3A_181 : memref<1x512xi32, #tpu.memory_space<vmem>> -> memref<512xi32, #tpu.memory_space<vmem>>
        %dma_start3A_183 = arith.constant 0 : i32
        %dma_start3A_184 = arith.constant 0 : i32
        %dma_start3A_185 = tpu.memref_slice %arg6[%dma_start3A_183, %dma_start3A_184] : memref<50176x16xf32, #tpu.memory_space<vmem_shared>> -> memref<50176x16xf32, #tpu.memory_space<vmem_shared>>
        tpu.enqueue_indirect_dma source(%dma_start3A_185 : memref<50176x16xf32, #tpu.memory_space<vmem_shared>>) target(%dma_start3A_179 : memref<512x16xf32, #tpu.memory_space<vmem>>) offsets(%dma_start3A_182 : memref<512xi32, #tpu.memory_space<vmem>>) semaphore(%arg14 : memref<!tpu.dma_semaphore, #tpu.memory_space<semaphore_mem>>)
        %dma_wait3A_186 = arith.constant 0 : i32
        %dma_wait3A_187 = arith.constant 0 : i32
        %dma_wait3A_188 = arith.constant 0 : i32
        %dma_wait3A_189 = tpu.memref_slice %arg11[%dma_wait3A_186, %dma_wait3A_187, %dma_wait3A_188] : memref<1x512x16xf32, #tpu.memory_space<vmem>> -> memref<1x512x16xf32, #tpu.memory_space<vmem>>
        %dma_wait3A_190 = tpu.memref_squeeze %dma_wait3A_189 : memref<1x512x16xf32, #tpu.memory_space<vmem>> -> memref<512x16xf32, #tpu.memory_space<vmem>>
        %dma_wait3A_191 = arith.constant 0 : i32
        %dma_wait3A_192 = tpu.memref_slice %arg8[%add3A_174, %dma_wait3A_191] : memref<10x512xi32, #tpu.memory_space<vmem>> -> memref<1x512xi32, #tpu.memory_space<vmem>>
        %dma_wait3A_193 = tpu.memref_squeeze %dma_wait3A_192 : memref<1x512xi32, #tpu.memory_space<vmem>> -> memref<512xi32, #tpu.memory_space<vmem>>
        %dma_wait3A_194 = arith.constant 0 : i32
        %dma_wait3A_195 = arith.constant 0 : i32
        %dma_wait3A_196 = tpu.memref_slice %arg6[%dma_wait3A_194, %dma_wait3A_195] : memref<50176x16xf32, #tpu.memory_space<vmem_shared>> -> memref<50176x16xf32, #tpu.memory_space<vmem_shared>>
        tpu.wait_indirect_dma semaphore(%arg14 : memref<!tpu.dma_semaphore, #tpu.memory_space<semaphore_mem>>) src(%dma_wait3A_196 : memref<50176x16xf32, #tpu.memory_space<vmem_shared>>) dst(%dma_wait3A_190 : memref<512x16xf32, #tpu.memory_space<vmem>>)
        %mul3A_197 = arith.constant 1 : i32
        %mul3A_198 = arith.muli %add3A_165, %mul3A_197 : i32
        %add3A_199 = arith.constant 0 : i32
        %add3A_200 = arith.addi %mul3A_198, %add3A_199 : i32
        %dma_start3A_201 = arith.constant 0 : i32
        %dma_start3A_202 = arith.constant 0 : i32
        %dma_start3A_203 = arith.constant 0 : i32
        %dma_start3A_204 = tpu.memref_slice %arg11[%dma_start3A_201, %dma_start3A_202, %dma_start3A_203] : memref<1x512x16xf32, #tpu.memory_space<vmem>> -> memref<1x512x16xf32, #tpu.memory_space<vmem>>
        %dma_start3A_205 = tpu.memref_squeeze %dma_start3A_204 : memref<1x512x16xf32, #tpu.memory_space<vmem>> -> memref<512x16xf32, #tpu.memory_space<vmem>>
        %dma_start3A_206 = arith.constant 0 : i32
        %dma_start3A_207 = tpu.memref_slice %arg9[%add3A_200, %dma_start3A_206] : memref<10x512xi32, #tpu.memory_space<vmem>> -> memref<1x512xi32, #tpu.memory_space<vmem>>
        %dma_start3A_208 = tpu.memref_squeeze %dma_start3A_207 : memref<1x512xi32, #tpu.memory_space<vmem>> -> memref<512xi32, #tpu.memory_space<vmem>>
        %dma_start3A_209 = arith.constant 0 : i32
        %dma_start3A_210 = arith.constant 0 : i32
        %dma_start3A_211 = tpu.memref_slice %arg7[%dma_start3A_209, %dma_start3A_210] : memref<50176x16xf32, #tpu.memory_space<vmem_shared>> -> memref<50176x16xf32, #tpu.memory_space<vmem_shared>>
        tpu.enqueue_indirect_dma source(%dma_start3A_205 : memref<512x16xf32, #tpu.memory_space<vmem>>) target(%dma_start3A_211 : memref<50176x16xf32, #tpu.memory_space<vmem_shared>>) offsets(%dma_start3A_208 : memref<512xi32, #tpu.memory_space<vmem>>) semaphore(%arg16 : memref<!tpu.dma_semaphore, #tpu.memory_space<semaphore_mem>>) {add = true}
      }
      %scan3A_112 = arith.constant 5 : i32
    }
    %scan3A_23 = arith.constant 10 : i32
    %dma_wait3A = arith.constant 0 : i32
    %dma_wait3A_24 = arith.constant 0 : i32
    %dma_wait3A_25 = arith.constant 0 : i32
    %dma_wait3A_26 = arith.constant 0 : i32
    %dma_wait3A_27 = tpu.memref_slice %arg10[%dma_wait3A, %dma_wait3A_25, %dma_wait3A_26] : memref<1x512x16xf32, #tpu.memory_space<vmem>> -> memref<1x512x16xf32, #tpu.memory_space<vmem>>
    %dma_wait3A_28 = tpu.memref_squeeze %dma_wait3A_27 : memref<1x512x16xf32, #tpu.memory_space<vmem>> -> memref<512x16xf32, #tpu.memory_space<vmem>>
    %dma_wait3A_29 = arith.constant 0 : i32
    %dma_wait3A_30 = tpu.memref_slice %arg9[%dma_wait3A_24, %dma_wait3A_29] : memref<10x512xi32, #tpu.memory_space<vmem>> -> memref<1x512xi32, #tpu.memory_space<vmem>>
    %dma_wait3A_31 = tpu.memref_squeeze %dma_wait3A_30 : memref<1x512xi32, #tpu.memory_space<vmem>> -> memref<512xi32, #tpu.memory_space<vmem>>
    %dma_wait3A_32 = arith.constant 0 : i32
    %dma_wait3A_33 = arith.constant 0 : i32
    %dma_wait3A_34 = tpu.memref_slice %arg7[%dma_wait3A_32, %dma_wait3A_33] : memref<50176x16xf32, #tpu.memory_space<vmem_shared>> -> memref<50176x16xf32, #tpu.memory_space<vmem_shared>>
    tpu.wait_indirect_dma semaphore(%arg15 : memref<!tpu.dma_semaphore, #tpu.memory_space<semaphore_mem>>) src(%dma_wait3A_28 : memref<512x16xf32, #tpu.memory_space<vmem>>) dst(%dma_wait3A_34 : memref<50176x16xf32, #tpu.memory_space<vmem_shared>>)
    %dma_wait3A_35 = arith.constant 0 : i32
    %dma_wait3A_36 = arith.constant 0 : i32
    %dma_wait3A_37 = arith.constant 0 : i32
    %dma_wait3A_38 = arith.constant 0 : i32
    %dma_wait3A_39 = tpu.memref_slice %arg11[%dma_wait3A_35, %dma_wait3A_37, %dma_wait3A_38] : memref<1x512x16xf32, #tpu.memory_space<vmem>> -> memref<1x512x16xf32, #tpu.memory_space<vmem>>
    %dma_wait3A_40 = tpu.memref_squeeze %dma_wait3A_39 : memref<1x512x16xf32, #tpu.memory_space<vmem>> -> memref<512x16xf32, #tpu.memory_space<vmem>>
    %dma_wait3A_41 = arith.constant 0 : i32
    %dma_wait3A_42 = tpu.memref_slice %arg9[%dma_wait3A_36, %dma_wait3A_41] : memref<10x512xi32, #tpu.memory_space<vmem>> -> memref<1x512xi32, #tpu.memory_space<vmem>>
    %dma_wait3A_43 = tpu.memref_squeeze %dma_wait3A_42 : memref<1x512xi32, #tpu.memory_space<vmem>> -> memref<512xi32, #tpu.memory_space<vmem>>
    %dma_wait3A_44 = arith.constant 0 : i32
    %dma_wait3A_45 = arith.constant 0 : i32
    %dma_wait3A_46 = tpu.memref_slice %arg7[%dma_wait3A_44, %dma_wait3A_45] : memref<50176x16xf32, #tpu.memory_space<vmem_shared>> -> memref<50176x16xf32, #tpu.memory_space<vmem_shared>>
    tpu.wait_indirect_dma semaphore(%arg16 : memref<!tpu.dma_semaphore, #tpu.memory_space<semaphore_mem>>) src(%dma_wait3A_40 : memref<512x16xf32, #tpu.memory_space<vmem>>) dst(%dma_wait3A_46 : memref<50176x16xf32, #tpu.memory_space<vmem_shared>>)
    %barrier3A_47 = arith.constant 0 : index
    tpu.barrier barrier_id(%barrier3A_47)
    %mul3A_48 = arith.constant 3128 : i32
    %mul3A_49 = arith.muli %arg1, %mul3A_48 : i32
    %mul3A_50 = arith.constant 3128 : i32
    %mul3A_51 = arith.muli %arg1, %mul3A_50 : i32
    "tpu.region"() ({
      %run_scoped3A = tpu.sem_alloc : memref<!tpu.dma_semaphore, #tpu.memory_space<semaphore_mem>>
      %dma_start3A = arith.constant 0 : i32
      %dma_start3A_104 = tpu.memref_slice %arg5[%mul3A_51, %add3A_7, %dma_start3A] : memref<50048x4x16xf32, #tpu.memory_space<hbm>> -> memref<3128x1x16xf32, #tpu.memory_space<hbm>>
      %dma_start3A_105 = tpu.memref_squeeze %dma_start3A_104 : memref<3128x1x16xf32, #tpu.memory_space<hbm>> -> memref<3128x16xf32, #tpu.memory_space<hbm>>
      %dma_start3A_106 = arith.constant 0 : i32
      %dma_start3A_107 = tpu.memref_slice %arg7[%mul3A_49, %dma_start3A_106] : memref<50176x16xf32, #tpu.memory_space<vmem_shared>> -> memref<3128x16xf32, #tpu.memory_space<vmem_shared>>
      tpu.enqueue_dma source(%dma_start3A_107 : memref<3128x16xf32, #tpu.memory_space<vmem_shared>>) target(%dma_start3A_105 : memref<3128x16xf32, #tpu.memory_space<hbm>>) target_semaphore(%run_scoped3A : memref<!tpu.dma_semaphore, #tpu.memory_space<semaphore_mem>>)
      %dma_wait3A_108 = arith.constant 0 : i32
      %dma_wait3A_109 = tpu.memref_slice %arg5[%mul3A_51, %add3A_7, %dma_wait3A_108] : memref<50048x4x16xf32, #tpu.memory_space<hbm>> -> memref<3128x1x16xf32, #tpu.memory_space<hbm>>
      %dma_wait3A_110 = tpu.memref_squeeze %dma_wait3A_109 : memref<3128x1x16xf32, #tpu.memory_space<hbm>> -> memref<3128x16xf32, #tpu.memory_space<hbm>>
      %dma_wait3A_111 = arith.constant 0 : i32
      %dma_wait3A_112 = tpu.memref_slice %arg7[%mul3A_49, %dma_wait3A_111] : memref<50176x16xf32, #tpu.memory_space<vmem_shared>> -> memref<3128x16xf32, #tpu.memory_space<vmem_shared>>
      tpu.wait_dma2 semaphore(%run_scoped3A : memref<!tpu.dma_semaphore, #tpu.memory_space<semaphore_mem>>) src(%dma_wait3A_112 : memref<3128x16xf32, #tpu.memory_space<vmem_shared>>) dst(%dma_wait3A_110 : memref<3128x16xf32, #tpu.memory_space<hbm>>)
      tpu.yield
    }) : () -> ()
    %barrier3A_52 = arith.constant 0 : index
    tpu.barrier barrier_id(%barrier3A_52)
    %mul3A_53 = arith.constant 2 : i32
    %mul3A_54 = arith.muli %mul3A_53, %arg0 : i32
    %add3A_55 = arith.constant 1 : i32
    %add3A_56 = arith.addi %mul3A_54, %add3A_55 : i32
    %scan3A_57 = arith.constant 0 : i32
    %scan3A_58 = arith.constant 0 : i32
    %scan3A_59 = arith.constant 49 : i32
    %scan3A_60 = arith.addi %scan3A_58, %scan3A_59 : i32
    %scan3A_61 = arith.constant 1 : i32
    scf.for %scan3A_104 = %scan3A_58 to %scan3A_60 step %scan3A_61  : i32 {
      %mul3A_105 = arith.constant 3136 : i32
      %mul3A_106 = arith.muli %arg1, %mul3A_105 : i32
      %mul3A_107 = arith.constant 64 : i32
      %mul3A_108 = arith.muli %scan3A_104, %mul3A_107 : i32
      %add3A_109 = arith.addi %mul3A_106, %mul3A_108 : i32
      "tpu.region"() ({
        %run_scoped3A = tpu.sem_alloc : memref<!tpu.dma_semaphore, #tpu.memory_space<semaphore_mem>>
        %dma_start3A = arith.constant 0 : i32
        %dma_start3A_110 = tpu.memref_slice %arg7[%add3A_109, %dma_start3A] : memref<50176x16xf32, #tpu.memory_space<vmem_shared>> -> memref<64x16xf32, #tpu.memory_space<vmem_shared>>
        %dma_start3A_111 = arith.constant 0 : i32
        %dma_start3A_112 = tpu.memref_slice %arg7[%add3A_109, %dma_start3A_111] : memref<50176x16xf32, #tpu.memory_space<vmem_shared>> -> memref<64x16xf32, #tpu.memory_space<vmem_shared>>
        tpu.enqueue_dma source(%arg12 : memref<64x16xf32, #tpu.memory_space<vmem>>) target(%dma_start3A_112 : memref<64x16xf32, #tpu.memory_space<vmem_shared>>) target_semaphore(%run_scoped3A : memref<!tpu.dma_semaphore, #tpu.memory_space<semaphore_mem>>)
        %dma_wait3A_113 = arith.constant 0 : i32
        %dma_wait3A_114 = tpu.memref_slice %arg7[%add3A_109, %dma_wait3A_113] : memref<50176x16xf32, #tpu.memory_space<vmem_shared>> -> memref<64x16xf32, #tpu.memory_space<vmem_shared>>
        %dma_wait3A_115 = arith.constant 0 : i32
        %dma_wait3A_116 = tpu.memref_slice %arg7[%add3A_109, %dma_wait3A_115] : memref<50176x16xf32, #tpu.memory_space<vmem_shared>> -> memref<64x16xf32, #tpu.memory_space<vmem_shared>>
        tpu.wait_dma2 semaphore(%run_scoped3A : memref<!tpu.dma_semaphore, #tpu.memory_space<semaphore_mem>>) src(%arg12 : memref<64x16xf32, #tpu.memory_space<vmem>>) dst(%dma_wait3A_116 : memref<64x16xf32, #tpu.memory_space<vmem_shared>>)
        tpu.yield
      }) : () -> ()
    }
    %scan3A_62 = arith.constant 49 : i32
    %mul3A_63 = arith.constant 3136 : i32
    %mul3A_64 = arith.muli %arg1, %mul3A_63 : i32
    %mul3A_65 = arith.constant 3136 : i32
    %mul3A_66 = arith.muli %arg1, %mul3A_65 : i32
    "tpu.region"() ({
      %run_scoped3A = tpu.sem_alloc : memref<!tpu.dma_semaphore, #tpu.memory_space<semaphore_mem>>
      %dma_start3A = arith.constant 0 : i32
      %dma_start3A_104 = tpu.memref_slice %arg6[%mul3A_66, %dma_start3A] : memref<50176x16xf32, #tpu.memory_space<vmem_shared>> -> memref<3136x16xf32, #tpu.memory_space<vmem_shared>>
      %dma_start3A_105 = arith.constant 0 : i32
      %dma_start3A_106 = tpu.memref_slice %arg2[%mul3A_64, %add3A_56, %dma_start3A_105] : memref<50176x4x16xf32, #tpu.memory_space<hbm>> -> memref<3136x1x16xf32, #tpu.memory_space<hbm>>
      %dma_start3A_107 = tpu.memref_squeeze %dma_start3A_106 : memref<3136x1x16xf32, #tpu.memory_space<hbm>> -> memref<3136x16xf32, #tpu.memory_space<hbm>>
      tpu.enqueue_dma source(%dma_start3A_107 : memref<3136x16xf32, #tpu.memory_space<hbm>>) target(%dma_start3A_104 : memref<3136x16xf32, #tpu.memory_space<vmem_shared>>) target_semaphore(%run_scoped3A : memref<!tpu.dma_semaphore, #tpu.memory_space<semaphore_mem>>)
      %dma_wait3A_108 = arith.constant 0 : i32
      %dma_wait3A_109 = tpu.memref_slice %arg6[%mul3A_66, %dma_wait3A_108] : memref<50176x16xf32, #tpu.memory_space<vmem_shared>> -> memref<3136x16xf32, #tpu.memory_space<vmem_shared>>
      %dma_wait3A_110 = arith.constant 0 : i32
      %dma_wait3A_111 = tpu.memref_slice %arg2[%mul3A_64, %add3A_56, %dma_wait3A_110] : memref<50176x4x16xf32, #tpu.memory_space<hbm>> -> memref<3136x1x16xf32, #tpu.memory_space<hbm>>
      %dma_wait3A_112 = tpu.memref_squeeze %dma_wait3A_111 : memref<3136x1x16xf32, #tpu.memory_space<hbm>> -> memref<3136x16xf32, #tpu.memory_space<hbm>>
      tpu.wait_dma2 semaphore(%run_scoped3A : memref<!tpu.dma_semaphore, #tpu.memory_space<semaphore_mem>>) src(%dma_wait3A_112 : memref<3136x16xf32, #tpu.memory_space<hbm>>) dst(%dma_wait3A_109 : memref<3136x16xf32, #tpu.memory_space<vmem_shared>>)
      tpu.yield
    }) : () -> ()
    %barrier3A_67 = arith.constant 0 : index
    tpu.barrier barrier_id(%barrier3A_67)
    %scan3A_68 = arith.constant 0 : i32
    %scan3A_69 = arith.constant 0 : i32
    %scan3A_70 = arith.constant 10 : i32
    %scan3A_71 = arith.addi %scan3A_69, %scan3A_70 : i32
    %scan3A_72 = arith.constant 1 : i32
    scf.for %scan3A_104 = %scan3A_69 to %scan3A_71 step %scan3A_72  : i32 {
      %gt3A = arith.constant 0 : i32
      %gt3A_105 = arith.cmpi sgt, %scan3A_104, %gt3A : i32
      %convert_element_type3A = arith.extui %gt3A_105 : i1 to i32
      %cond3A = arith.constant 0 : i32
      %cond3A_106 = arith.cmpi ne, %convert_element_type3A, %cond3A : i32
      scf.if %cond3A_106 {
        %dma_wait3A_113 = arith.constant 0 : i32
        %dma_wait3A_114 = arith.constant 0 : i32
        %dma_wait3A_115 = arith.constant 0 : i32
        %dma_wait3A_116 = arith.constant 0 : i32
        %dma_wait3A_117 = tpu.memref_slice %arg10[%dma_wait3A_113, %dma_wait3A_115, %dma_wait3A_116] : memref<1x512x16xf32, #tpu.memory_space<vmem>> -> memref<1x512x16xf32, #tpu.memory_space<vmem>>
        %dma_wait3A_118 = tpu.memref_squeeze %dma_wait3A_117 : memref<1x512x16xf32, #tpu.memory_space<vmem>> -> memref<512x16xf32, #tpu.memory_space<vmem>>
        %dma_wait3A_119 = arith.constant 0 : i32
        %dma_wait3A_120 = tpu.memref_slice %arg9[%dma_wait3A_114, %dma_wait3A_119] : memref<10x512xi32, #tpu.memory_space<vmem>> -> memref<1x512xi32, #tpu.memory_space<vmem>>
        %dma_wait3A_121 = tpu.memref_squeeze %dma_wait3A_120 : memref<1x512xi32, #tpu.memory_space<vmem>> -> memref<512xi32, #tpu.memory_space<vmem>>
        %dma_wait3A_122 = arith.constant 0 : i32
        %dma_wait3A_123 = arith.constant 0 : i32
        %dma_wait3A_124 = tpu.memref_slice %arg7[%dma_wait3A_122, %dma_wait3A_123] : memref<50176x16xf32, #tpu.memory_space<vmem_shared>> -> memref<50176x16xf32, #tpu.memory_space<vmem_shared>>
        tpu.wait_indirect_dma semaphore(%arg15 : memref<!tpu.dma_semaphore, #tpu.memory_space<semaphore_mem>>) src(%dma_wait3A_118 : memref<512x16xf32, #tpu.memory_space<vmem>>) dst(%dma_wait3A_124 : memref<50176x16xf32, #tpu.memory_space<vmem_shared>>)
        %dma_wait3A_125 = arith.constant 0 : i32
        %dma_wait3A_126 = arith.constant 0 : i32
        %dma_wait3A_127 = arith.constant 0 : i32
        %dma_wait3A_128 = arith.constant 0 : i32
        %dma_wait3A_129 = tpu.memref_slice %arg11[%dma_wait3A_125, %dma_wait3A_127, %dma_wait3A_128] : memref<1x512x16xf32, #tpu.memory_space<vmem>> -> memref<1x512x16xf32, #tpu.memory_space<vmem>>
        %dma_wait3A_130 = tpu.memref_squeeze %dma_wait3A_129 : memref<1x512x16xf32, #tpu.memory_space<vmem>> -> memref<512x16xf32, #tpu.memory_space<vmem>>
        %dma_wait3A_131 = arith.constant 0 : i32
        %dma_wait3A_132 = tpu.memref_slice %arg9[%dma_wait3A_126, %dma_wait3A_131] : memref<10x512xi32, #tpu.memory_space<vmem>> -> memref<1x512xi32, #tpu.memory_space<vmem>>
        %dma_wait3A_133 = tpu.memref_squeeze %dma_wait3A_132 : memref<1x512xi32, #tpu.memory_space<vmem>> -> memref<512xi32, #tpu.memory_space<vmem>>
        %dma_wait3A_134 = arith.constant 0 : i32
        %dma_wait3A_135 = arith.constant 0 : i32
        %dma_wait3A_136 = tpu.memref_slice %arg7[%dma_wait3A_134, %dma_wait3A_135] : memref<50176x16xf32, #tpu.memory_space<vmem_shared>> -> memref<50176x16xf32, #tpu.memory_space<vmem_shared>>
        tpu.wait_indirect_dma semaphore(%arg16 : memref<!tpu.dma_semaphore, #tpu.memory_space<semaphore_mem>>) src(%dma_wait3A_130 : memref<512x16xf32, #tpu.memory_space<vmem>>) dst(%dma_wait3A_136 : memref<50176x16xf32, #tpu.memory_space<vmem_shared>>)
      } else {
      }
      "tpu.region"() ({
        %run_scoped3A = tpu.sem_alloc : memref<!tpu.dma_semaphore, #tpu.memory_space<semaphore_mem>>
        %dma_start3A = arith.constant 0 : i32
        %dma_start3A_113 = arith.constant 0 : i32
        %dma_start3A_114 = tpu.memref_slice %arg3[%arg1, %scan3A_104, %dma_start3A, %dma_start3A_113] : memref<16x10x10x512xi32, #tpu.memory_space<hbm>> -> memref<1x1x10x512xi32, #tpu.memory_space<hbm>>
        %dma_start3A_115 = tpu.memref_squeeze %dma_start3A_114 : memref<1x1x10x512xi32, #tpu.memory_space<hbm>> -> memref<10x512xi32, #tpu.memory_space<hbm>>
        %dma_start3A_116 = arith.constant 0 : i32
        %dma_start3A_117 = arith.constant 0 : i32
        %dma_start3A_118 = tpu.memref_slice %arg3[%arg1, %scan3A_104, %dma_start3A_116, %dma_start3A_117] : memref<16x10x10x512xi32, #tpu.memory_space<hbm>> -> memref<1x1x10x512xi32, #tpu.memory_space<hbm>>
        %dma_start3A_119 = tpu.memref_squeeze %dma_start3A_118 : memref<1x1x10x512xi32, #tpu.memory_space<hbm>> -> memref<10x512xi32, #tpu.memory_space<hbm>>
        tpu.enqueue_dma source(%dma_start3A_119 : memref<10x512xi32, #tpu.memory_space<hbm>>) target(%arg8 : memref<10x512xi32, #tpu.memory_space<vmem>>) target_semaphore(%run_scoped3A : memref<!tpu.dma_semaphore, #tpu.memory_space<semaphore_mem>>)
        %dma_wait3A_120 = arith.constant 0 : i32
        %dma_wait3A_121 = arith.constant 0 : i32
        %dma_wait3A_122 = tpu.memref_slice %arg3[%arg1, %scan3A_104, %dma_wait3A_120, %dma_wait3A_121] : memref<16x10x10x512xi32, #tpu.memory_space<hbm>> -> memref<1x1x10x512xi32, #tpu.memory_space<hbm>>
        %dma_wait3A_123 = tpu.memref_squeeze %dma_wait3A_122 : memref<1x1x10x512xi32, #tpu.memory_space<hbm>> -> memref<10x512xi32, #tpu.memory_space<hbm>>
        %dma_wait3A_124 = arith.constant 0 : i32
        %dma_wait3A_125 = arith.constant 0 : i32
        %dma_wait3A_126 = tpu.memref_slice %arg3[%arg1, %scan3A_104, %dma_wait3A_124, %dma_wait3A_125] : memref<16x10x10x512xi32, #tpu.memory_space<hbm>> -> memref<1x1x10x512xi32, #tpu.memory_space<hbm>>
        %dma_wait3A_127 = tpu.memref_squeeze %dma_wait3A_126 : memref<1x1x10x512xi32, #tpu.memory_space<hbm>> -> memref<10x512xi32, #tpu.memory_space<hbm>>
        tpu.wait_dma2 semaphore(%run_scoped3A : memref<!tpu.dma_semaphore, #tpu.memory_space<semaphore_mem>>) src(%dma_wait3A_127 : memref<10x512xi32, #tpu.memory_space<hbm>>) dst(%arg8 : memref<10x512xi32, #tpu.memory_space<vmem>>)
        tpu.yield
      }) : () -> ()
      "tpu.region"() ({
        %run_scoped3A = tpu.sem_alloc : memref<!tpu.dma_semaphore, #tpu.memory_space<semaphore_mem>>
        %dma_start3A = arith.constant 0 : i32
        %dma_start3A_113 = arith.constant 0 : i32
        %dma_start3A_114 = tpu.memref_slice %arg4[%arg1, %scan3A_104, %dma_start3A, %dma_start3A_113] : memref<16x10x10x512xi32, #tpu.memory_space<hbm>> -> memref<1x1x10x512xi32, #tpu.memory_space<hbm>>
        %dma_start3A_115 = tpu.memref_squeeze %dma_start3A_114 : memref<1x1x10x512xi32, #tpu.memory_space<hbm>> -> memref<10x512xi32, #tpu.memory_space<hbm>>
        %dma_start3A_116 = arith.constant 0 : i32
        %dma_start3A_117 = arith.constant 0 : i32
        %dma_start3A_118 = tpu.memref_slice %arg4[%arg1, %scan3A_104, %dma_start3A_116, %dma_start3A_117] : memref<16x10x10x512xi32, #tpu.memory_space<hbm>> -> memref<1x1x10x512xi32, #tpu.memory_space<hbm>>
        %dma_start3A_119 = tpu.memref_squeeze %dma_start3A_118 : memref<1x1x10x512xi32, #tpu.memory_space<hbm>> -> memref<10x512xi32, #tpu.memory_space<hbm>>
        tpu.enqueue_dma source(%dma_start3A_119 : memref<10x512xi32, #tpu.memory_space<hbm>>) target(%arg9 : memref<10x512xi32, #tpu.memory_space<vmem>>) target_semaphore(%run_scoped3A : memref<!tpu.dma_semaphore, #tpu.memory_space<semaphore_mem>>)
        %dma_wait3A_120 = arith.constant 0 : i32
        %dma_wait3A_121 = arith.constant 0 : i32
        %dma_wait3A_122 = tpu.memref_slice %arg4[%arg1, %scan3A_104, %dma_wait3A_120, %dma_wait3A_121] : memref<16x10x10x512xi32, #tpu.memory_space<hbm>> -> memref<1x1x10x512xi32, #tpu.memory_space<hbm>>
        %dma_wait3A_123 = tpu.memref_squeeze %dma_wait3A_122 : memref<1x1x10x512xi32, #tpu.memory_space<hbm>> -> memref<10x512xi32, #tpu.memory_space<hbm>>
        %dma_wait3A_124 = arith.constant 0 : i32
        %dma_wait3A_125 = arith.constant 0 : i32
        %dma_wait3A_126 = tpu.memref_slice %arg4[%arg1, %scan3A_104, %dma_wait3A_124, %dma_wait3A_125] : memref<16x10x10x512xi32, #tpu.memory_space<hbm>> -> memref<1x1x10x512xi32, #tpu.memory_space<hbm>>
        %dma_wait3A_127 = tpu.memref_squeeze %dma_wait3A_126 : memref<1x1x10x512xi32, #tpu.memory_space<hbm>> -> memref<10x512xi32, #tpu.memory_space<hbm>>
        tpu.wait_dma2 semaphore(%run_scoped3A : memref<!tpu.dma_semaphore, #tpu.memory_space<semaphore_mem>>) src(%dma_wait3A_127 : memref<10x512xi32, #tpu.memory_space<hbm>>) dst(%arg9 : memref<10x512xi32, #tpu.memory_space<vmem>>)
        tpu.yield
      }) : () -> ()
      %scan3A_107 = arith.constant 0 : i32
      %scan3A_108 = arith.constant 0 : i32
      %scan3A_109 = arith.constant 5 : i32
      %scan3A_110 = arith.addi %scan3A_108, %scan3A_109 : i32
      %scan3A_111 = arith.constant 1 : i32
      scf.for %scan3A_113 = %scan3A_108 to %scan3A_110 step %scan3A_111  : i32 {
        %mul3A_114 = arith.constant 2 : i32
        %mul3A_115 = arith.muli %mul3A_114, %scan3A_113 : i32
        %add3A_116 = arith.constant 0 : i32
        %add3A_117 = arith.addi %mul3A_115, %add3A_116 : i32
        %ge3A = arith.constant 2 : i32
        %ge3A_118 = arith.cmpi sge, %add3A_117, %ge3A : i32
        %convert_element_type3A_119 = arith.extui %ge3A_118 : i1 to i32
        %cond3A_120 = arith.constant 0 : i32
        %cond3A_121 = arith.cmpi ne, %convert_element_type3A_119, %cond3A_120 : i32
        scf.if %cond3A_121 {
          %dma_wait3A_212 = arith.constant 0 : i32
          %dma_wait3A_213 = arith.constant 0 : i32
          %dma_wait3A_214 = arith.constant 0 : i32
          %dma_wait3A_215 = arith.constant 0 : i32
          %dma_wait3A_216 = tpu.memref_slice %arg10[%dma_wait3A_212, %dma_wait3A_214, %dma_wait3A_215] : memref<1x512x16xf32, #tpu.memory_space<vmem>> -> memref<1x512x16xf32, #tpu.memory_space<vmem>>
          %dma_wait3A_217 = tpu.memref_squeeze %dma_wait3A_216 : memref<1x512x16xf32, #tpu.memory_space<vmem>> -> memref<512x16xf32, #tpu.memory_space<vmem>>
          %dma_wait3A_218 = arith.constant 0 : i32
          %dma_wait3A_219 = tpu.memref_slice %arg9[%dma_wait3A_213, %dma_wait3A_218] : memref<10x512xi32, #tpu.memory_space<vmem>> -> memref<1x512xi32, #tpu.memory_space<vmem>>
          %dma_wait3A_220 = tpu.memref_squeeze %dma_wait3A_219 : memref<1x512xi32, #tpu.memory_space<vmem>> -> memref<512xi32, #tpu.memory_space<vmem>>
          %dma_wait3A_221 = arith.constant 0 : i32
          %dma_wait3A_222 = arith.constant 0 : i32
          %dma_wait3A_223 = tpu.memref_slice %arg7[%dma_wait3A_221, %dma_wait3A_222] : memref<50176x16xf32, #tpu.memory_space<vmem_shared>> -> memref<50176x16xf32, #tpu.memory_space<vmem_shared>>
          tpu.wait_indirect_dma semaphore(%arg15 : memref<!tpu.dma_semaphore, #tpu.memory_space<semaphore_mem>>) src(%dma_wait3A_217 : memref<512x16xf32, #tpu.memory_space<vmem>>) dst(%dma_wait3A_223 : memref<50176x16xf32, #tpu.memory_space<vmem_shared>>)
        } else {
        }
        %mul3A_122 = arith.constant 1 : i32
        %mul3A_123 = arith.muli %add3A_117, %mul3A_122 : i32
        %add3A_124 = arith.constant 0 : i32
        %add3A_125 = arith.addi %mul3A_123, %add3A_124 : i32
        %dma_start3A = arith.constant 0 : i32
        %dma_start3A_126 = arith.constant 0 : i32
        %dma_start3A_127 = arith.constant 0 : i32
        %dma_start3A_128 = tpu.memref_slice %arg10[%dma_start3A, %dma_start3A_126, %dma_start3A_127] : memref<1x512x16xf32, #tpu.memory_space<vmem>> -> memref<1x512x16xf32, #tpu.memory_space<vmem>>
        %dma_start3A_129 = tpu.memref_squeeze %dma_start3A_128 : memref<1x512x16xf32, #tpu.memory_space<vmem>> -> memref<512x16xf32, #tpu.memory_space<vmem>>
        %dma_start3A_130 = arith.constant 0 : i32
        %dma_start3A_131 = tpu.memref_slice %arg8[%add3A_125, %dma_start3A_130] : memref<10x512xi32, #tpu.memory_space<vmem>> -> memref<1x512xi32, #tpu.memory_space<vmem>>
        %dma_start3A_132 = tpu.memref_squeeze %dma_start3A_131 : memref<1x512xi32, #tpu.memory_space<vmem>> -> memref<512xi32, #tpu.memory_space<vmem>>
        %dma_start3A_133 = arith.constant 0 : i32
        %dma_start3A_134 = arith.constant 0 : i32
        %dma_start3A_135 = tpu.memref_slice %arg6[%dma_start3A_133, %dma_start3A_134] : memref<50176x16xf32, #tpu.memory_space<vmem_shared>> -> memref<50176x16xf32, #tpu.memory_space<vmem_shared>>
        tpu.enqueue_indirect_dma source(%dma_start3A_135 : memref<50176x16xf32, #tpu.memory_space<vmem_shared>>) target(%dma_start3A_129 : memref<512x16xf32, #tpu.memory_space<vmem>>) offsets(%dma_start3A_132 : memref<512xi32, #tpu.memory_space<vmem>>) semaphore(%arg13 : memref<!tpu.dma_semaphore, #tpu.memory_space<semaphore_mem>>)
        %dma_wait3A_136 = arith.constant 0 : i32
        %dma_wait3A_137 = arith.constant 0 : i32
        %dma_wait3A_138 = arith.constant 0 : i32
        %dma_wait3A_139 = tpu.memref_slice %arg10[%dma_wait3A_136, %dma_wait3A_137, %dma_wait3A_138] : memref<1x512x16xf32, #tpu.memory_space<vmem>> -> memref<1x512x16xf32, #tpu.memory_space<vmem>>
        %dma_wait3A_140 = tpu.memref_squeeze %dma_wait3A_139 : memref<1x512x16xf32, #tpu.memory_space<vmem>> -> memref<512x16xf32, #tpu.memory_space<vmem>>
        %dma_wait3A_141 = arith.constant 0 : i32
        %dma_wait3A_142 = tpu.memref_slice %arg8[%add3A_125, %dma_wait3A_141] : memref<10x512xi32, #tpu.memory_space<vmem>> -> memref<1x512xi32, #tpu.memory_space<vmem>>
        %dma_wait3A_143 = tpu.memref_squeeze %dma_wait3A_142 : memref<1x512xi32, #tpu.memory_space<vmem>> -> memref<512xi32, #tpu.memory_space<vmem>>
        %dma_wait3A_144 = arith.constant 0 : i32
        %dma_wait3A_145 = arith.constant 0 : i32
        %dma_wait3A_146 = tpu.memref_slice %arg6[%dma_wait3A_144, %dma_wait3A_145] : memref<50176x16xf32, #tpu.memory_space<vmem_shared>> -> memref<50176x16xf32, #tpu.memory_space<vmem_shared>>
        tpu.wait_indirect_dma semaphore(%arg13 : memref<!tpu.dma_semaphore, #tpu.memory_space<semaphore_mem>>) src(%dma_wait3A_146 : memref<50176x16xf32, #tpu.memory_space<vmem_shared>>) dst(%dma_wait3A_140 : memref<512x16xf32, #tpu.memory_space<vmem>>)
        %mul3A_147 = arith.constant 1 : i32
        %mul3A_148 = arith.muli %add3A_117, %mul3A_147 : i32
        %add3A_149 = arith.constant 0 : i32
        %add3A_150 = arith.addi %mul3A_148, %add3A_149 : i32
        %dma_start3A_151 = arith.constant 0 : i32
        %dma_start3A_152 = arith.constant 0 : i32
        %dma_start3A_153 = arith.constant 0 : i32
        %dma_start3A_154 = tpu.memref_slice %arg10[%dma_start3A_151, %dma_start3A_152, %dma_start3A_153] : memref<1x512x16xf32, #tpu.memory_space<vmem>> -> memref<1x512x16xf32, #tpu.memory_space<vmem>>
        %dma_start3A_155 = tpu.memref_squeeze %dma_start3A_154 : memref<1x512x16xf32, #tpu.memory_space<vmem>> -> memref<512x16xf32, #tpu.memory_space<vmem>>
        %dma_start3A_156 = arith.constant 0 : i32
        %dma_start3A_157 = tpu.memref_slice %arg9[%add3A_150, %dma_start3A_156] : memref<10x512xi32, #tpu.memory_space<vmem>> -> memref<1x512xi32, #tpu.memory_space<vmem>>
        %dma_start3A_158 = tpu.memref_squeeze %dma_start3A_157 : memref<1x512xi32, #tpu.memory_space<vmem>> -> memref<512xi32, #tpu.memory_space<vmem>>
        %dma_start3A_159 = arith.constant 0 : i32
        %dma_start3A_160 = arith.constant 0 : i32
        %dma_start3A_161 = tpu.memref_slice %arg7[%dma_start3A_159, %dma_start3A_160] : memref<50176x16xf32, #tpu.memory_space<vmem_shared>> -> memref<50176x16xf32, #tpu.memory_space<vmem_shared>>
        tpu.enqueue_indirect_dma source(%dma_start3A_155 : memref<512x16xf32, #tpu.memory_space<vmem>>) target(%dma_start3A_161 : memref<50176x16xf32, #tpu.memory_space<vmem_shared>>) offsets(%dma_start3A_158 : memref<512xi32, #tpu.memory_space<vmem>>) semaphore(%arg15 : memref<!tpu.dma_semaphore, #tpu.memory_space<semaphore_mem>>) {add = true}
        %mul3A_162 = arith.constant 2 : i32
        %mul3A_163 = arith.muli %mul3A_162, %scan3A_113 : i32
        %add3A_164 = arith.constant 1 : i32
        %add3A_165 = arith.addi %mul3A_163, %add3A_164 : i32
        %ge3A_166 = arith.constant 2 : i32
        %ge3A_167 = arith.cmpi sge, %add3A_165, %ge3A_166 : i32
        %convert_element_type3A_168 = arith.extui %ge3A_167 : i1 to i32
        %cond3A_169 = arith.constant 0 : i32
        %cond3A_170 = arith.cmpi ne, %convert_element_type3A_168, %cond3A_169 : i32
        scf.if %cond3A_170 {
          %dma_wait3A_212 = arith.constant 0 : i32
          %dma_wait3A_213 = arith.constant 0 : i32
          %dma_wait3A_214 = arith.constant 0 : i32
          %dma_wait3A_215 = arith.constant 0 : i32
          %dma_wait3A_216 = tpu.memref_slice %arg11[%dma_wait3A_212, %dma_wait3A_214, %dma_wait3A_215] : memref<1x512x16xf32, #tpu.memory_space<vmem>> -> memref<1x512x16xf32, #tpu.memory_space<vmem>>
          %dma_wait3A_217 = tpu.memref_squeeze %dma_wait3A_216 : memref<1x512x16xf32, #tpu.memory_space<vmem>> -> memref<512x16xf32, #tpu.memory_space<vmem>>
          %dma_wait3A_218 = arith.constant 0 : i32
          %dma_wait3A_219 = tpu.memref_slice %arg9[%dma_wait3A_213, %dma_wait3A_218] : memref<10x512xi32, #tpu.memory_space<vmem>> -> memref<1x512xi32, #tpu.memory_space<vmem>>
          %dma_wait3A_220 = tpu.memref_squeeze %dma_wait3A_219 : memref<1x512xi32, #tpu.memory_space<vmem>> -> memref<512xi32, #tpu.memory_space<vmem>>
          %dma_wait3A_221 = arith.constant 0 : i32
          %dma_wait3A_222 = arith.constant 0 : i32
          %dma_wait3A_223 = tpu.memref_slice %arg7[%dma_wait3A_221, %dma_wait3A_222] : memref<50176x16xf32, #tpu.memory_space<vmem_shared>> -> memref<50176x16xf32, #tpu.memory_space<vmem_shared>>
          tpu.wait_indirect_dma semaphore(%arg16 : memref<!tpu.dma_semaphore, #tpu.memory_space<semaphore_mem>>) src(%dma_wait3A_217 : memref<512x16xf32, #tpu.memory_space<vmem>>) dst(%dma_wait3A_223 : memref<50176x16xf32, #tpu.memory_space<vmem_shared>>)
        } else {
        }
        %mul3A_171 = arith.constant 1 : i32
        %mul3A_172 = arith.muli %add3A_165, %mul3A_171 : i32
        %add3A_173 = arith.constant 0 : i32
        %add3A_174 = arith.addi %mul3A_172, %add3A_173 : i32
        %dma_start3A_175 = arith.constant 0 : i32
        %dma_start3A_176 = arith.constant 0 : i32
        %dma_start3A_177 = arith.constant 0 : i32
        %dma_start3A_178 = tpu.memref_slice %arg11[%dma_start3A_175, %dma_start3A_176, %dma_start3A_177] : memref<1x512x16xf32, #tpu.memory_space<vmem>> -> memref<1x512x16xf32, #tpu.memory_space<vmem>>
        %dma_start3A_179 = tpu.memref_squeeze %dma_start3A_178 : memref<1x512x16xf32, #tpu.memory_space<vmem>> -> memref<512x16xf32, #tpu.memory_space<vmem>>
        %dma_start3A_180 = arith.constant 0 : i32
        %dma_start3A_181 = tpu.memref_slice %arg8[%add3A_174, %dma_start3A_180] : memref<10x512xi32, #tpu.memory_space<vmem>> -> memref<1x512xi32, #tpu.memory_space<vmem>>
        %dma_start3A_182 = tpu.memref_squeeze %dma_start3A_181 : memref<1x512xi32, #tpu.memory_space<vmem>> -> memref<512xi32, #tpu.memory_space<vmem>>
        %dma_start3A_183 = arith.constant 0 : i32
        %dma_start3A_184 = arith.constant 0 : i32
        %dma_start3A_185 = tpu.memref_slice %arg6[%dma_start3A_183, %dma_start3A_184] : memref<50176x16xf32, #tpu.memory_space<vmem_shared>> -> memref<50176x16xf32, #tpu.memory_space<vmem_shared>>
        tpu.enqueue_indirect_dma source(%dma_start3A_185 : memref<50176x16xf32, #tpu.memory_space<vmem_shared>>) target(%dma_start3A_179 : memref<512x16xf32, #tpu.memory_space<vmem>>) offsets(%dma_start3A_182 : memref<512xi32, #tpu.memory_space<vmem>>) semaphore(%arg14 : memref<!tpu.dma_semaphore, #tpu.memory_space<semaphore_mem>>)
        %dma_wait3A_186 = arith.constant 0 : i32
        %dma_wait3A_187 = arith.constant 0 : i32
        %dma_wait3A_188 = arith.constant 0 : i32
        %dma_wait3A_189 = tpu.memref_slice %arg11[%dma_wait3A_186, %dma_wait3A_187, %dma_wait3A_188] : memref<1x512x16xf32, #tpu.memory_space<vmem>> -> memref<1x512x16xf32, #tpu.memory_space<vmem>>
        %dma_wait3A_190 = tpu.memref_squeeze %dma_wait3A_189 : memref<1x512x16xf32, #tpu.memory_space<vmem>> -> memref<512x16xf32, #tpu.memory_space<vmem>>
        %dma_wait3A_191 = arith.constant 0 : i32
        %dma_wait3A_192 = tpu.memref_slice %arg8[%add3A_174, %dma_wait3A_191] : memref<10x512xi32, #tpu.memory_space<vmem>> -> memref<1x512xi32, #tpu.memory_space<vmem>>
        %dma_wait3A_193 = tpu.memref_squeeze %dma_wait3A_192 : memref<1x512xi32, #tpu.memory_space<vmem>> -> memref<512xi32, #tpu.memory_space<vmem>>
        %dma_wait3A_194 = arith.constant 0 : i32
        %dma_wait3A_195 = arith.constant 0 : i32
        %dma_wait3A_196 = tpu.memref_slice %arg6[%dma_wait3A_194, %dma_wait3A_195] : memref<50176x16xf32, #tpu.memory_space<vmem_shared>> -> memref<50176x16xf32, #tpu.memory_space<vmem_shared>>
        tpu.wait_indirect_dma semaphore(%arg14 : memref<!tpu.dma_semaphore, #tpu.memory_space<semaphore_mem>>) src(%dma_wait3A_196 : memref<50176x16xf32, #tpu.memory_space<vmem_shared>>) dst(%dma_wait3A_190 : memref<512x16xf32, #tpu.memory_space<vmem>>)
        %mul3A_197 = arith.constant 1 : i32
        %mul3A_198 = arith.muli %add3A_165, %mul3A_197 : i32
        %add3A_199 = arith.constant 0 : i32
        %add3A_200 = arith.addi %mul3A_198, %add3A_199 : i32
        %dma_start3A_201 = arith.constant 0 : i32
        %dma_start3A_202 = arith.constant 0 : i32
        %dma_start3A_203 = arith.constant 0 : i32
        %dma_start3A_204 = tpu.memref_slice %arg11[%dma_start3A_201, %dma_start3A_202, %dma_start3A_203] : memref<1x512x16xf32, #tpu.memory_space<vmem>> -> memref<1x512x16xf32, #tpu.memory_space<vmem>>
        %dma_start3A_205 = tpu.memref_squeeze %dma_start3A_204 : memref<1x512x16xf32, #tpu.memory_space<vmem>> -> memref<512x16xf32, #tpu.memory_space<vmem>>
        %dma_start3A_206 = arith.constant 0 : i32
        %dma_start3A_207 = tpu.memref_slice %arg9[%add3A_200, %dma_start3A_206] : memref<10x512xi32, #tpu.memory_space<vmem>> -> memref<1x512xi32, #tpu.memory_space<vmem>>
        %dma_start3A_208 = tpu.memref_squeeze %dma_start3A_207 : memref<1x512xi32, #tpu.memory_space<vmem>> -> memref<512xi32, #tpu.memory_space<vmem>>
        %dma_start3A_209 = arith.constant 0 : i32
        %dma_start3A_210 = arith.constant 0 : i32
        %dma_start3A_211 = tpu.memref_slice %arg7[%dma_start3A_209, %dma_start3A_210] : memref<50176x16xf32, #tpu.memory_space<vmem_shared>> -> memref<50176x16xf32, #tpu.memory_space<vmem_shared>>
        tpu.enqueue_indirect_dma source(%dma_start3A_205 : memref<512x16xf32, #tpu.memory_space<vmem>>) target(%dma_start3A_211 : memref<50176x16xf32, #tpu.memory_space<vmem_shared>>) offsets(%dma_start3A_208 : memref<512xi32, #tpu.memory_space<vmem>>) semaphore(%arg16 : memref<!tpu.dma_semaphore, #tpu.memory_space<semaphore_mem>>) {add = true}
      }
      %scan3A_112 = arith.constant 5 : i32
    }
    %scan3A_73 = arith.constant 10 : i32
    %dma_wait3A_74 = arith.constant 0 : i32
    %dma_wait3A_75 = arith.constant 0 : i32
    %dma_wait3A_76 = arith.constant 0 : i32
    %dma_wait3A_77 = arith.constant 0 : i32
    %dma_wait3A_78 = tpu.memref_slice %arg10[%dma_wait3A_74, %dma_wait3A_76, %dma_wait3A_77] : memref<1x512x16xf32, #tpu.memory_space<vmem>> -> memref<1x512x16xf32, #tpu.memory_space<vmem>>
    %dma_wait3A_79 = tpu.memref_squeeze %dma_wait3A_78 : memref<1x512x16xf32, #tpu.memory_space<vmem>> -> memref<512x16xf32, #tpu.memory_space<vmem>>
    %dma_wait3A_80 = arith.constant 0 : i32
    %dma_wait3A_81 = tpu.memref_slice %arg9[%dma_wait3A_75, %dma_wait3A_80] : memref<10x512xi32, #tpu.memory_space<vmem>> -> memref<1x512xi32, #tpu.memory_space<vmem>>
    %dma_wait3A_82 = tpu.memref_squeeze %dma_wait3A_81 : memref<1x512xi32, #tpu.memory_space<vmem>> -> memref<512xi32, #tpu.memory_space<vmem>>
    %dma_wait3A_83 = arith.constant 0 : i32
    %dma_wait3A_84 = arith.constant 0 : i32
    %dma_wait3A_85 = tpu.memref_slice %arg7[%dma_wait3A_83, %dma_wait3A_84] : memref<50176x16xf32, #tpu.memory_space<vmem_shared>> -> memref<50176x16xf32, #tpu.memory_space<vmem_shared>>
    tpu.wait_indirect_dma semaphore(%arg15 : memref<!tpu.dma_semaphore, #tpu.memory_space<semaphore_mem>>) src(%dma_wait3A_79 : memref<512x16xf32, #tpu.memory_space<vmem>>) dst(%dma_wait3A_85 : memref<50176x16xf32, #tpu.memory_space<vmem_shared>>)
    %dma_wait3A_86 = arith.constant 0 : i32
    %dma_wait3A_87 = arith.constant 0 : i32
    %dma_wait3A_88 = arith.constant 0 : i32
    %dma_wait3A_89 = arith.constant 0 : i32
    %dma_wait3A_90 = tpu.memref_slice %arg11[%dma_wait3A_86, %dma_wait3A_88, %dma_wait3A_89] : memref<1x512x16xf32, #tpu.memory_space<vmem>> -> memref<1x512x16xf32, #tpu.memory_space<vmem>>
    %dma_wait3A_91 = tpu.memref_squeeze %dma_wait3A_90 : memref<1x512x16xf32, #tpu.memory_space<vmem>> -> memref<512x16xf32, #tpu.memory_space<vmem>>
    %dma_wait3A_92 = arith.constant 0 : i32
    %dma_wait3A_93 = tpu.memref_slice %arg9[%dma_wait3A_87, %dma_wait3A_92] : memref<10x512xi32, #tpu.memory_space<vmem>> -> memref<1x512xi32, #tpu.memory_space<vmem>>
    %dma_wait3A_94 = tpu.memref_squeeze %dma_wait3A_93 : memref<1x512xi32, #tpu.memory_space<vmem>> -> memref<512xi32, #tpu.memory_space<vmem>>
    %dma_wait3A_95 = arith.constant 0 : i32
    %dma_wait3A_96 = arith.constant 0 : i32
    %dma_wait3A_97 = tpu.memref_slice %arg7[%dma_wait3A_95, %dma_wait3A_96] : memref<50176x16xf32, #tpu.memory_space<vmem_shared>> -> memref<50176x16xf32, #tpu.memory_space<vmem_shared>>
    tpu.wait_indirect_dma semaphore(%arg16 : memref<!tpu.dma_semaphore, #tpu.memory_space<semaphore_mem>>) src(%dma_wait3A_91 : memref<512x16xf32, #tpu.memory_space<vmem>>) dst(%dma_wait3A_97 : memref<50176x16xf32, #tpu.memory_space<vmem_shared>>)
    %barrier3A_98 = arith.constant 0 : index
    tpu.barrier barrier_id(%barrier3A_98)
    %mul3A_99 = arith.constant 3128 : i32
    %mul3A_100 = arith.muli %arg1, %mul3A_99 : i32
    %mul3A_101 = arith.constant 3128 : i32
    %mul3A_102 = arith.muli %arg1, %mul3A_101 : i32
    "tpu.region"() ({
      %run_scoped3A = tpu.sem_alloc : memref<!tpu.dma_semaphore, #tpu.memory_space<semaphore_mem>>
      %dma_start3A = arith.constant 0 : i32
      %dma_start3A_104 = tpu.memref_slice %arg5[%mul3A_102, %add3A_56, %dma_start3A] : memref<50048x4x16xf32, #tpu.memory_space<hbm>> -> memref<3128x1x16xf32, #tpu.memory_space<hbm>>
      %dma_start3A_105 = tpu.memref_squeeze %dma_start3A_104 : memref<3128x1x16xf32, #tpu.memory_space<hbm>> -> memref<3128x16xf32, #tpu.memory_space<hbm>>
      %dma_start3A_106 = arith.constant 0 : i32
      %dma_start3A_107 = tpu.memref_slice %arg7[%mul3A_100, %dma_start3A_106] : memref<50176x16xf32, #tpu.memory_space<vmem_shared>> -> memref<3128x16xf32, #tpu.memory_space<vmem_shared>>
      tpu.enqueue_dma source(%dma_start3A_107 : memref<3128x16xf32, #tpu.memory_space<vmem_shared>>) target(%dma_start3A_105 : memref<3128x16xf32, #tpu.memory_space<hbm>>) target_semaphore(%run_scoped3A : memref<!tpu.dma_semaphore, #tpu.memory_space<semaphore_mem>>)
      %dma_wait3A_108 = arith.constant 0 : i32
      %dma_wait3A_109 = tpu.memref_slice %arg5[%mul3A_102, %add3A_56, %dma_wait3A_108] : memref<50048x4x16xf32, #tpu.memory_space<hbm>> -> memref<3128x1x16xf32, #tpu.memory_space<hbm>>
      %dma_wait3A_110 = tpu.memref_squeeze %dma_wait3A_109 : memref<3128x1x16xf32, #tpu.memory_space<hbm>> -> memref<3128x16xf32, #tpu.memory_space<hbm>>
      %dma_wait3A_111 = arith.constant 0 : i32
      %dma_wait3A_112 = tpu.memref_slice %arg7[%mul3A_100, %dma_wait3A_111] : memref<50176x16xf32, #tpu.memory_space<vmem_shared>> -> memref<3128x16xf32, #tpu.memory_space<vmem_shared>>
      tpu.wait_dma2 semaphore(%run_scoped3A : memref<!tpu.dma_semaphore, #tpu.memory_space<semaphore_mem>>) src(%dma_wait3A_112 : memref<3128x16xf32, #tpu.memory_space<vmem_shared>>) dst(%dma_wait3A_110 : memref<3128x16xf32, #tpu.memory_space<hbm>>)
      tpu.yield
    }) : () -> ()
    %barrier3A_103 = arith.constant 0 : index
    tpu.barrier barrier_id(%barrier3A_103)
    return
  }
}

module attributes {stable_mosaic.version = 14 : i64} {
  func.func @_s1_body(%arg0: i32, %arg1: memref<1000x26xf32, #tpu.memory_space<vmem>>, %arg2: memref<26x128xf32, #tpu.memory_space<vmem>>, %arg3: memref<1x128xf32, #tpu.memory_space<vmem>>, %arg4: memref<128x128xf32, #tpu.memory_space<vmem>>, %arg5: memref<2x32768xi32, #tpu.memory_space<vmem>>, %arg6: memref<1000x128xf32, #tpu.memory_space<vmem>>, %arg7: memref<1000x128xf32, #tpu.memory_space<vmem>>, %arg8: memref<1x1x32768xi32, #tpu.memory_space<vmem>>, %arg9: memref<1x1x32768xi32, #tpu.memory_space<vmem>>) attributes {dimension_semantics = [#tpu.dimension_semantics<arbitrary>], iteration_bounds = array<i64: 25>, scalar_prefetch = 0 : i64, scratch_operands = 0 : i64, tpu.core_type = #tpu.core_type<tc>, window_params = [{transform_indices = @transform_0, window_bounds = array<i64: 1000, 26>}, {pipeline_mode = #tpu.pipeline_mode<synchronous>, transform_indices = @transform_1, window_bounds = array<i64: 26, 128>}, {pipeline_mode = #tpu.pipeline_mode<synchronous>, transform_indices = @transform_2, window_bounds = array<i64: 1, 128>}, {pipeline_mode = #tpu.pipeline_mode<synchronous>, transform_indices = @transform_3, window_bounds = array<i64: 128, 128>}, {transform_indices = @transform_4, window_bounds = array<i64: 2, 32768>}, {transform_indices = @transform_5, window_bounds = array<i64: 1000, 128>}, {transform_indices = @transform_6, window_bounds = array<i64: 1000, 128>}, {transform_indices = @transform_7, window_bounds = array<i64: 1, 1, 32768>}, {transform_indices = @transform_8, window_bounds = array<i64: 1, 1, 32768>}]} {
    %get3A = arith.constant 0 : index
    %get3A_0 = arith.constant 0 : index
    %get3A_1 = vector.load %arg1[%get3A, %get3A_0] : memref<1000x26xf32, #tpu.memory_space<vmem>>, vector<1000x26xf32>
    %get3A_2 = arith.constant 0 : index
    %get3A_3 = arith.constant 0 : index
    %get3A_4 = vector.load %arg2[%get3A_2, %get3A_3] : memref<26x128xf32, #tpu.memory_space<vmem>>, vector<26x128xf32>
    %dot_general3A = arith.constant dense<0.000000e+00> : vector<1000x128xf32>
    %dot_general3A_5 = tpu.matmul %get3A_1, %get3A_4, %dot_general3A {dimension_numbers = #tpu.dot_dimension_numbers<[1], [0], [0], [1], [0, 0, 1, 1], [], []>, transpose_lhs_hint = false} : vector<1000x26xf32>, vector<26x128xf32>, vector<1000x128xf32> -> vector<1000x128xf32>
    %get3A_6 = arith.constant 0 : index
    %get3A_7 = arith.constant 0 : index
    %get3A_8 = vector.load %arg3[%get3A_6, %get3A_7] : memref<1x128xf32, #tpu.memory_space<vmem>>, vector<1x128xf32>
    %add3A = vector.broadcast %get3A_8 : vector<1x128xf32> to vector<1000x128xf32>
    %add3A_9 = arith.addf %dot_general3A_5, %add3A : vector<1000x128xf32>
    %tanh3A = math.tanh %add3A_9 : vector<1000x128xf32>
    %swap3A = arith.constant 0 : index
    %swap3A_10 = arith.constant 0 : index
    %swap3A_11 = vector.load %arg6[%swap3A, %swap3A_10] : memref<1000x128xf32, #tpu.memory_space<vmem>>, vector<1000x128xf32>
    tpu.vector_store %arg6[%swap3A, %swap3A_10], %tanh3A {strides = array<i32>} : memref<1000x128xf32, #tpu.memory_space<vmem>>, vector<1000x128xf32>,
    %get3A_12 = arith.constant 0 : index
    %get3A_13 = arith.constant 0 : index
    %get3A_14 = vector.load %arg4[%get3A_12, %get3A_13] : memref<128x128xf32, #tpu.memory_space<vmem>>, vector<128x128xf32>
    %dot_general3A_15 = arith.constant dense<0.000000e+00> : vector<1000x128xf32>
    %dot_general3A_16 = tpu.matmul %tanh3A, %get3A_14, %dot_general3A_15 {dimension_numbers = #tpu.dot_dimension_numbers<[1], [0], [0], [1], [0, 0, 1, 1], [], []>, transpose_lhs_hint = false} : vector<1000x128xf32>, vector<128x128xf32>, vector<1000x128xf32> -> vector<1000x128xf32>
    %swap3A_17 = arith.constant 0 : index
    %swap3A_18 = arith.constant 0 : index
    %swap3A_19 = vector.load %arg7[%swap3A_17, %swap3A_18] : memref<1000x128xf32, #tpu.memory_space<vmem>>, vector<1000x128xf32>
    tpu.vector_store %arg7[%swap3A_17, %swap3A_18], %dot_general3A_16 {strides = array<i32>} : memref<1000x128xf32, #tpu.memory_space<vmem>>, vector<1000x128xf32>,
    %mul3A = arith.constant 32768 : i32
    %mul3A_20 = arith.muli %arg0, %mul3A : i32
    %iota3A = tpu.iota {dimensions = array<i32: 1>} : vector<1x32768xi32>
    %add3A_21 = vector.broadcast %mul3A_20 : i32 to vector<1x32768xi32>
    %add3A_22 = arith.addi %add3A_21, %iota3A : vector<1x32768xi32>
    %lt3A = arith.constant 800000 : i32
    %lt3A_23 = vector.broadcast %lt3A : i32 to vector<1x32768xi32>
    %lt3A_24 = arith.cmpi slt, %add3A_22, %lt3A_23 : vector<1x32768xi32>
    %get3A_25 = arith.constant 0 : index
    %get3A_26 = arith.constant 0 : index
    %get3A_27 = vector.load %arg5[%get3A_25, %get3A_26] : memref<2x32768xi32, #tpu.memory_space<vmem>>, vector<1x32768xi32>
    %get3A_28 = arith.constant 1 : index
    %get3A_29 = arith.constant 0 : index
    %get3A_30 = vector.load %arg5[%get3A_28, %get3A_29] : memref<2x32768xi32, #tpu.memory_space<vmem>>, vector<1x32768xi32>
    %jit3A = arith.constant 0 : i32
    %broadcast_in_dim3A = vector.broadcast %jit3A : i32 to vector<1x32768xi32>
    %select_n3A = arith.select %lt3A_24, %get3A_27, %broadcast_in_dim3A : vector<1x32768xi1>, vector<1x32768xi32>
    %reshape3A = vector.shape_cast %select_n3A : vector<1x32768xi32> to vector<1x1x32768xi32>
    %swap3A_31 = arith.constant 0 : index
    %swap3A_32 = arith.constant 0 : index
    %swap3A_33 = arith.constant 0 : index
    %swap3A_34 = vector.load %arg8[%swap3A_31, %swap3A_32, %swap3A_33] : memref<1x1x32768xi32, #tpu.memory_space<vmem>>, vector<1x1x32768xi32>
    tpu.vector_store %arg8[%swap3A_31, %swap3A_32, %swap3A_33], %reshape3A {strides = array<i32>} : memref<1x1x32768xi32, #tpu.memory_space<vmem>>, vector<1x1x32768xi32>,
    %jit3A_35 = arith.constant 50048 : i32
    %broadcast_in_dim3A_36 = vector.broadcast %jit3A_35 : i32 to vector<1x32768xi32>
    %select_n3A_37 = arith.select %lt3A_24, %get3A_30, %broadcast_in_dim3A_36 : vector<1x32768xi1>, vector<1x32768xi32>
    %reshape3A_38 = vector.shape_cast %select_n3A_37 : vector<1x32768xi32> to vector<1x1x32768xi32>
    %swap3A_39 = arith.constant 0 : index
    %swap3A_40 = arith.constant 0 : index
    %swap3A_41 = arith.constant 0 : index
    %swap3A_42 = vector.load %arg9[%swap3A_39, %swap3A_40, %swap3A_41] : memref<1x1x32768xi32, #tpu.memory_space<vmem>>, vector<1x1x32768xi32>
    tpu.vector_store %arg9[%swap3A_39, %swap3A_40, %swap3A_41], %reshape3A_38 {strides = array<i32>} : memref<1x1x32768xi32, #tpu.memory_space<vmem>>, vector<1x1x32768xi32>,
    return
  }
  func.func @transform_0(%arg0: i32) -> (i32, i32) {
    %c0_i32 = arith.constant 0 : i32
    %c0_i32_0 = arith.constant 0 : i32
    return %arg0, %c0_i32 : i32, i32
  }
  func.func @transform_1(%arg0: i32) -> (i32, i32) {
    %c0_i32 = arith.constant 0 : i32
    %c0_i32_0 = arith.constant 0 : i32
    %c0_i32_1 = arith.constant 0 : i32
    return %c0_i32, %c0_i32_0 : i32, i32
  }
  func.func @transform_2(%arg0: i32) -> (i32, i32) {
    %c0_i32 = arith.constant 0 : i32
    %c0_i32_0 = arith.constant 0 : i32
    %c0_i32_1 = arith.constant 0 : i32
    return %c0_i32, %c0_i32_0 : i32, i32
  }
  func.func @transform_3(%arg0: i32) -> (i32, i32) {
    %c0_i32 = arith.constant 0 : i32
    %c0_i32_0 = arith.constant 0 : i32
    %c0_i32_1 = arith.constant 0 : i32
    return %c0_i32, %c0_i32_0 : i32, i32
  }
  func.func @transform_4(%arg0: i32) -> (i32, i32) {
    %c0_i32 = arith.constant 0 : i32
    %c0_i32_0 = arith.constant 0 : i32
    return %c0_i32, %arg0 : i32, i32
  }
  func.func @transform_5(%arg0: i32) -> (i32, i32) {
    %c0_i32 = arith.constant 0 : i32
    %c0_i32_0 = arith.constant 0 : i32
    return %arg0, %c0_i32 : i32, i32
  }
  func.func @transform_6(%arg0: i32) -> (i32, i32) {
    %c0_i32 = arith.constant 0 : i32
    %c0_i32_0 = arith.constant 0 : i32
    return %arg0, %c0_i32 : i32, i32
  }
  func.func @transform_7(%arg0: i32) -> (i32, i32, i32) {
    %c0_i32 = arith.constant 0 : i32
    %c0_i32_0 = arith.constant 0 : i32
    %c0_i32_1 = arith.constant 0 : i32
    return %arg0, %c0_i32, %c0_i32_0 : i32, i32, i32
  }
  func.func @transform_8(%arg0: i32) -> (i32, i32, i32) {
    %c0_i32 = arith.constant 0 : i32
    %c0_i32_0 = arith.constant 0 : i32
    %c0_i32_1 = arith.constant 0 : i32
    return %arg0, %c0_i32, %c0_i32_0 : i32, i32, i32
  }
}

module attributes {stable_mosaic.version = 14 : i64} {
  func.func @_s1b_body(%arg0: i32, %arg1: memref<1000x128xf32, #tpu.memory_space<vmem>>, %arg2: memref<128x128xf32, #tpu.memory_space<vmem>>, %arg3: memref<128x128xf32, #tpu.memory_space<vmem>>, %arg4: memref<128x128xf32, #tpu.memory_space<vmem>>, %arg5: memref<1000x128xf32, #tpu.memory_space<vmem>>, %arg6: memref<1000x128xf32, #tpu.memory_space<vmem>>, %arg7: memref<1000x128xf32, #tpu.memory_space<vmem>>) attributes {dimension_semantics = [#tpu.dimension_semantics<arbitrary>], iteration_bounds = array<i64: 25>, scalar_prefetch = 0 : i64, scratch_operands = 0 : i64, tpu.core_type = #tpu.core_type<tc>, window_params = [{transform_indices = @transform_0, window_bounds = array<i64: 1000, 128>}, {pipeline_mode = #tpu.pipeline_mode<synchronous>, transform_indices = @transform_1, window_bounds = array<i64: 128, 128>}, {pipeline_mode = #tpu.pipeline_mode<synchronous>, transform_indices = @transform_2, window_bounds = array<i64: 128, 128>}, {pipeline_mode = #tpu.pipeline_mode<synchronous>, transform_indices = @transform_3, window_bounds = array<i64: 128, 128>}, {transform_indices = @transform_4, window_bounds = array<i64: 1000, 128>}, {transform_indices = @transform_5, window_bounds = array<i64: 1000, 128>}, {transform_indices = @transform_6, window_bounds = array<i64: 1000, 128>}]} {
    %get3A = arith.constant 0 : index
    %get3A_0 = arith.constant 0 : index
    %get3A_1 = vector.load %arg1[%get3A, %get3A_0] : memref<1000x128xf32, #tpu.memory_space<vmem>>, vector<1000x128xf32>
    %get3A_2 = arith.constant 0 : index
    %get3A_3 = arith.constant 0 : index
    %get3A_4 = vector.load %arg2[%get3A_2, %get3A_3] : memref<128x128xf32, #tpu.memory_space<vmem>>, vector<128x128xf32>
    %dot_general3A = arith.constant dense<0.000000e+00> : vector<1000x128xf32>
    %dot_general3A_5 = tpu.matmul %get3A_1, %get3A_4, %dot_general3A {dimension_numbers = #tpu.dot_dimension_numbers<[1], [0], [0], [1], [0, 0, 1, 1], [], []>, transpose_lhs_hint = false} : vector<1000x128xf32>, vector<128x128xf32>, vector<1000x128xf32> -> vector<1000x128xf32>
    %swap3A = arith.constant 0 : index
    %swap3A_6 = arith.constant 0 : index
    %swap3A_7 = vector.load %arg5[%swap3A, %swap3A_6] : memref<1000x128xf32, #tpu.memory_space<vmem>>, vector<1000x128xf32>
    tpu.vector_store %arg5[%swap3A, %swap3A_6], %dot_general3A_5 {strides = array<i32>} : memref<1000x128xf32, #tpu.memory_space<vmem>>, vector<1000x128xf32>,
    %get3A_8 = arith.constant 0 : index
    %get3A_9 = arith.constant 0 : index
    %get3A_10 = vector.load %arg3[%get3A_8, %get3A_9] : memref<128x128xf32, #tpu.memory_space<vmem>>, vector<128x128xf32>
    %dot_general3A_11 = arith.constant dense<0.000000e+00> : vector<1000x128xf32>
    %dot_general3A_12 = tpu.matmul %get3A_1, %get3A_10, %dot_general3A_11 {dimension_numbers = #tpu.dot_dimension_numbers<[1], [0], [0], [1], [0, 0, 1, 1], [], []>, transpose_lhs_hint = false} : vector<1000x128xf32>, vector<128x128xf32>, vector<1000x128xf32> -> vector<1000x128xf32>
    %swap3A_13 = arith.constant 0 : index
    %swap3A_14 = arith.constant 0 : index
    %swap3A_15 = vector.load %arg6[%swap3A_13, %swap3A_14] : memref<1000x128xf32, #tpu.memory_space<vmem>>, vector<1000x128xf32>
    tpu.vector_store %arg6[%swap3A_13, %swap3A_14], %dot_general3A_12 {strides = array<i32>} : memref<1000x128xf32, #tpu.memory_space<vmem>>, vector<1000x128xf32>,
    %get3A_16 = arith.constant 0 : index
    %get3A_17 = arith.constant 0 : index
    %get3A_18 = vector.load %arg4[%get3A_16, %get3A_17] : memref<128x128xf32, #tpu.memory_space<vmem>>, vector<128x128xf32>
    %dot_general3A_19 = arith.constant dense<0.000000e+00> : vector<1000x128xf32>
    %dot_general3A_20 = tpu.matmul %get3A_1, %get3A_18, %dot_general3A_19 {dimension_numbers = #tpu.dot_dimension_numbers<[1], [0], [0], [1], [0, 0, 1, 1], [], []>, transpose_lhs_hint = false} : vector<1000x128xf32>, vector<128x128xf32>, vector<1000x128xf32> -> vector<1000x128xf32>
    %swap3A_21 = arith.constant 0 : index
    %swap3A_22 = arith.constant 0 : index
    %swap3A_23 = vector.load %arg7[%swap3A_21, %swap3A_22] : memref<1000x128xf32, #tpu.memory_space<vmem>>, vector<1000x128xf32>
    tpu.vector_store %arg7[%swap3A_21, %swap3A_22], %dot_general3A_20 {strides = array<i32>} : memref<1000x128xf32, #tpu.memory_space<vmem>>, vector<1000x128xf32>,
    return
  }
  func.func @transform_0(%arg0: i32) -> (i32, i32) {
    %c0_i32 = arith.constant 0 : i32
    %c0_i32_0 = arith.constant 0 : i32
    return %arg0, %c0_i32 : i32, i32
  }
  func.func @transform_1(%arg0: i32) -> (i32, i32) {
    %c0_i32 = arith.constant 0 : i32
    %c0_i32_0 = arith.constant 0 : i32
    %c0_i32_1 = arith.constant 0 : i32
    return %c0_i32, %c0_i32_0 : i32, i32
  }
  func.func @transform_2(%arg0: i32) -> (i32, i32) {
    %c0_i32 = arith.constant 0 : i32
    %c0_i32_0 = arith.constant 0 : i32
    %c0_i32_1 = arith.constant 0 : i32
    return %c0_i32, %c0_i32_0 : i32, i32
  }
  func.func @transform_3(%arg0: i32) -> (i32, i32) {
    %c0_i32 = arith.constant 0 : i32
    %c0_i32_0 = arith.constant 0 : i32
    %c0_i32_1 = arith.constant 0 : i32
    return %c0_i32, %c0_i32_0 : i32, i32
  }
  func.func @transform_4(%arg0: i32) -> (i32, i32) {
    %c0_i32 = arith.constant 0 : i32
    %c0_i32_0 = arith.constant 0 : i32
    return %arg0, %c0_i32 : i32, i32
  }
  func.func @transform_5(%arg0: i32) -> (i32, i32) {
    %c0_i32 = arith.constant 0 : i32
    %c0_i32_0 = arith.constant 0 : i32
    return %arg0, %c0_i32 : i32, i32
  }
  func.func @transform_6(%arg0: i32) -> (i32, i32) {
    %c0_i32 = arith.constant 0 : i32
    %c0_i32_0 = arith.constant 0 : i32
    return %arg0, %c0_i32 : i32, i32
  }
}

module attributes {stable_mosaic.version = 14 : i64} {
  func.func @_s3_body(%arg0: i32, %arg1: memref<1000x128xf32, #tpu.memory_space<vmem>>, %arg2: memref<1000x128xf32, #tpu.memory_space<vmem>>, %arg3: memref<1000x128xf32, #tpu.memory_space<vmem>>, %arg4: memref<1000x128xf32, #tpu.memory_space<vmem>>, %arg5: memref<1000x128xf32, #tpu.memory_space<vmem>>, %arg6: memref<128x128xf32, #tpu.memory_space<vmem>>, %arg7: memref<128x128xf32, #tpu.memory_space<vmem>>, %arg8: memref<128x128xf32, #tpu.memory_space<vmem>>, %arg9: memref<1x128xf32, #tpu.memory_space<vmem>>, %arg10: memref<1x128xf32, #tpu.memory_space<vmem>>, %arg11: memref<1x128xf32, #tpu.memory_space<vmem>>, %arg12: memref<128x128xf32, #tpu.memory_space<vmem>>, %arg13: memref<128x128xf32, #tpu.memory_space<vmem>>, %arg14: memref<128x64xf32, #tpu.memory_space<vmem>>, %arg15: memref<1x64xf32, #tpu.memory_space<vmem>>, %arg16: memref<1x64xf32, #tpu.memory_space<vmem>>, %arg17: memref<1x128xf32, #tpu.memory_space<vmem>>, %arg18: memref<1x64xf32, #tpu.memory_space<vmem>>) attributes {dimension_semantics = [#tpu.dimension_semantics<arbitrary>], iteration_bounds = array<i64: 25>, scalar_prefetch = 0 : i64, scratch_operands = 0 : i64, tpu.core_type = #tpu.core_type<tc>, window_params = [{transform_indices = @transform_0, window_bounds = array<i64: 1000, 128>}, {transform_indices = @transform_1, window_bounds = array<i64: 1000, 128>}, {transform_indices = @transform_2, window_bounds = array<i64: 1000, 128>}, {transform_indices = @transform_3, window_bounds = array<i64: 1000, 128>}, {transform_indices = @transform_4, window_bounds = array<i64: 1000, 128>}, {pipeline_mode = #tpu.pipeline_mode<synchronous>, transform_indices = @transform_5, window_bounds = array<i64: 128, 128>}, {pipeline_mode = #tpu.pipeline_mode<synchronous>, transform_indices = @transform_6, window_bounds = array<i64: 128, 128>}, {pipeline_mode = #tpu.pipeline_mode<synchronous>, transform_indices = @transform_7, window_bounds = array<i64: 128, 128>}, {pipeline_mode = #tpu.pipeline_mode<synchronous>, transform_indices = @transform_8, window_bounds = array<i64: 1, 128>}, {pipeline_mode = #tpu.pipeline_mode<synchronous>, transform_indices = @transform_9, window_bounds = array<i64: 1, 128>}, {pipeline_mode = #tpu.pipeline_mode<synchronous>, transform_indices = @transform_10, window_bounds = array<i64: 1, 128>}, {pipeline_mode = #tpu.pipeline_mode<synchronous>, transform_indices = @transform_11, window_bounds = array<i64: 128, 128>}, {pipeline_mode = #tpu.pipeline_mode<synchronous>, transform_indices = @transform_12, window_bounds = array<i64: 128, 128>}, {pipeline_mode = #tpu.pipeline_mode<synchronous>, transform_indices = @transform_13, window_bounds = array<i64: 128, 64>}, {pipeline_mode = #tpu.pipeline_mode<synchronous>, transform_indices = @transform_14, window_bounds = array<i64: 1, 64>}, {pipeline_mode = #tpu.pipeline_mode<synchronous>, transform_indices = @transform_15, window_bounds = array<i64: 1, 64>}, {pipeline_mode = #tpu.pipeline_mode<synchronous>, transform_indices = @transform_16, window_bounds = array<i64: 1, 128>}, {pipeline_mode = #tpu.pipeline_mode<synchronous>, transform_indices = @transform_17, window_bounds = array<i64: 1, 64>}]} {
    %get3A = arith.constant 0 : index
    %get3A_0 = arith.constant 0 : index
    %get3A_1 = vector.load %arg1[%get3A, %get3A_0] : memref<1000x128xf32, #tpu.memory_space<vmem>>, vector<1000x128xf32>
    %get3A_2 = arith.constant 0 : index
    %get3A_3 = arith.constant 0 : index
    %get3A_4 = vector.load %arg2[%get3A_2, %get3A_3] : memref<1000x128xf32, #tpu.memory_space<vmem>>, vector<1000x128xf32>
    %get3A_5 = arith.constant 0 : index
    %get3A_6 = arith.constant 0 : index
    %get3A_7 = vector.load %arg6[%get3A_5, %get3A_6] : memref<128x128xf32, #tpu.memory_space<vmem>>, vector<128x128xf32>
    %dot_general3A = arith.constant dense<0.000000e+00> : vector<1000x128xf32>
    %dot_general3A_8 = tpu.matmul %get3A_1, %get3A_7, %dot_general3A {dimension_numbers = #tpu.dot_dimension_numbers<[1], [0], [0], [1], [0, 0, 1, 1], [], []>, transpose_lhs_hint = false} : vector<1000x128xf32>, vector<128x128xf32>, vector<1000x128xf32> -> vector<1000x128xf32>
    %get3A_9 = arith.constant 0 : index
    %get3A_10 = arith.constant 0 : index
    %get3A_11 = vector.load %arg3[%get3A_9, %get3A_10] : memref<1000x128xf32, #tpu.memory_space<vmem>>, vector<1000x128xf32>
    %add3A = arith.addf %dot_general3A_8, %get3A_11 : vector<1000x128xf32>
    %get3A_12 = arith.constant 0 : index
    %get3A_13 = arith.constant 0 : index
    %get3A_14 = vector.load %arg9[%get3A_12, %get3A_13] : memref<1x128xf32, #tpu.memory_space<vmem>>, vector<1x128xf32>
    %add3A_15 = vector.broadcast %get3A_14 : vector<1x128xf32> to vector<1000x128xf32>
    %add3A_16 = arith.addf %add3A, %add3A_15 : vector<1000x128xf32>
    %logistic3A = arith.negf %add3A_16 : vector<1000x128xf32>
    %logistic3A_17 = math.exp %logistic3A : vector<1000x128xf32>
    %logistic3A_18 = arith.constant 1.000000e+00 : f32
    %logistic3A_19 = vector.broadcast %logistic3A_18 : f32 to vector<1000x128xf32>
    %logistic3A_20 = arith.addf %logistic3A_19, %logistic3A_17 : vector<1000x128xf32>
    %logistic3A_21 = arith.divf %logistic3A_19, %logistic3A_20 : vector<1000x128xf32>
    %get3A_22 = arith.constant 0 : index
    %get3A_23 = arith.constant 0 : index
    %get3A_24 = vector.load %arg7[%get3A_22, %get3A_23] : memref<128x128xf32, #tpu.memory_space<vmem>>, vector<128x128xf32>
    %dot_general3A_25 = arith.constant dense<0.000000e+00> : vector<1000x128xf32>
    %dot_general3A_26 = tpu.matmul %get3A_1, %get3A_24, %dot_general3A_25 {dimension_numbers = #tpu.dot_dimension_numbers<[1], [0], [0], [1], [0, 0, 1, 1], [], []>, transpose_lhs_hint = false} : vector<1000x128xf32>, vector<128x128xf32>, vector<1000x128xf32> -> vector<1000x128xf32>
    %get3A_27 = arith.constant 0 : index
    %get3A_28 = arith.constant 0 : index
    %get3A_29 = vector.load %arg4[%get3A_27, %get3A_28] : memref<1000x128xf32, #tpu.memory_space<vmem>>, vector<1000x128xf32>
    %add3A_30 = arith.addf %dot_general3A_26, %get3A_29 : vector<1000x128xf32>
    %get3A_31 = arith.constant 0 : index
    %get3A_32 = arith.constant 0 : index
    %get3A_33 = vector.load %arg10[%get3A_31, %get3A_32] : memref<1x128xf32, #tpu.memory_space<vmem>>, vector<1x128xf32>
    %add3A_34 = vector.broadcast %get3A_33 : vector<1x128xf32> to vector<1000x128xf32>
    %add3A_35 = arith.addf %add3A_30, %add3A_34 : vector<1000x128xf32>
    %logistic3A_36 = arith.negf %add3A_35 : vector<1000x128xf32>
    %logistic3A_37 = math.exp %logistic3A_36 : vector<1000x128xf32>
    %logistic3A_38 = arith.constant 1.000000e+00 : f32
    %logistic3A_39 = vector.broadcast %logistic3A_38 : f32 to vector<1000x128xf32>
    %logistic3A_40 = arith.addf %logistic3A_39, %logistic3A_37 : vector<1000x128xf32>
    %logistic3A_41 = arith.divf %logistic3A_39, %logistic3A_40 : vector<1000x128xf32>
    %get3A_42 = arith.constant 0 : index
    %get3A_43 = arith.constant 0 : index
    %get3A_44 = vector.load %arg8[%get3A_42, %get3A_43] : memref<128x128xf32, #tpu.memory_space<vmem>>, vector<128x128xf32>
    %dot_general3A_45 = arith.constant dense<0.000000e+00> : vector<1000x128xf32>
    %dot_general3A_46 = tpu.matmul %get3A_1, %get3A_44, %dot_general3A_45 {dimension_numbers = #tpu.dot_dimension_numbers<[1], [0], [0], [1], [0, 0, 1, 1], [], []>, transpose_lhs_hint = false} : vector<1000x128xf32>, vector<128x128xf32>, vector<1000x128xf32> -> vector<1000x128xf32>
    %get3A_47 = arith.constant 0 : index
    %get3A_48 = arith.constant 0 : index
    %get3A_49 = vector.load %arg5[%get3A_47, %get3A_48] : memref<1000x128xf32, #tpu.memory_space<vmem>>, vector<1000x128xf32>
    %mul3A = arith.mulf %logistic3A_21, %get3A_49 : vector<1000x128xf32>
    %add3A_50 = arith.addf %dot_general3A_46, %mul3A : vector<1000x128xf32>
    %get3A_51 = arith.constant 0 : index
    %get3A_52 = arith.constant 0 : index
    %get3A_53 = vector.load %arg11[%get3A_51, %get3A_52] : memref<1x128xf32, #tpu.memory_space<vmem>>, vector<1x128xf32>
    %add3A_54 = vector.broadcast %get3A_53 : vector<1x128xf32> to vector<1000x128xf32>
    %add3A_55 = arith.addf %add3A_50, %add3A_54 : vector<1000x128xf32>
    %tanh3A = math.tanh %add3A_55 : vector<1000x128xf32>
    %sub3A = arith.constant 1.000000e+00 : f32
    %sub3A_56 = vector.broadcast %sub3A : f32 to vector<1000x128xf32>
    %sub3A_57 = arith.subf %sub3A_56, %logistic3A_41 : vector<1000x128xf32>
    %mul3A_58 = arith.mulf %sub3A_57, %tanh3A : vector<1000x128xf32>
    %mul3A_59 = arith.mulf %logistic3A_41, %get3A_4 : vector<1000x128xf32>
    %add3A_60 = arith.addf %mul3A_58, %mul3A_59 : vector<1000x128xf32>
    %get3A_61 = arith.constant 0 : index
    %get3A_62 = arith.constant 0 : index
    %get3A_63 = vector.load %arg12[%get3A_61, %get3A_62] : memref<128x128xf32, #tpu.memory_space<vmem>>, vector<128x128xf32>
    %dot_general3A_64 = arith.constant dense<0.000000e+00> : vector<1000x128xf32>
    %dot_general3A_65 = tpu.matmul %add3A_60, %get3A_63, %dot_general3A_64 {dimension_numbers = #tpu.dot_dimension_numbers<[1], [0], [0], [1], [0, 0, 1, 1], [], []>, transpose_lhs_hint = false} : vector<1000x128xf32>, vector<128x128xf32>, vector<1000x128xf32> -> vector<1000x128xf32>
    %logistic3A_66 = arith.negf %dot_general3A_65 : vector<1000x128xf32>
    %logistic3A_67 = math.exp %logistic3A_66 : vector<1000x128xf32>
    %logistic3A_68 = arith.constant 1.000000e+00 : f32
    %logistic3A_69 = vector.broadcast %logistic3A_68 : f32 to vector<1000x128xf32>
    %logistic3A_70 = arith.addf %logistic3A_69, %logistic3A_67 : vector<1000x128xf32>
    %logistic3A_71 = arith.divf %logistic3A_69, %logistic3A_70 : vector<1000x128xf32>
    %get3A_72 = arith.constant 0 : index
    %get3A_73 = arith.constant 0 : index
    %get3A_74 = vector.load %arg13[%get3A_72, %get3A_73] : memref<128x128xf32, #tpu.memory_space<vmem>>, vector<128x128xf32>
    %dot_general3A_75 = arith.constant dense<0.000000e+00> : vector<1000x128xf32>
    %dot_general3A_76 = tpu.matmul %add3A_60, %get3A_74, %dot_general3A_75 {dimension_numbers = #tpu.dot_dimension_numbers<[1], [0], [0], [1], [0, 0, 1, 1], [], []>, transpose_lhs_hint = false} : vector<1000x128xf32>, vector<128x128xf32>, vector<1000x128xf32> -> vector<1000x128xf32>
    %tanh3A_77 = math.tanh %dot_general3A_76 : vector<1000x128xf32>
    %mul3A_78 = arith.mulf %logistic3A_71, %tanh3A_77 : vector<1000x128xf32>
    %reduce_sum3A = arith.constant dense<0.000000e+00> : vector<128xf32>
    %reduce_sum3A_79 = vector.multi_reduction <add>, %mul3A_78, %reduce_sum3A [0] : vector<1000x128xf32> to vector<128xf32>
    %broadcast_in_dim3A = vector.shape_cast %reduce_sum3A_79 : vector<128xf32> to vector<1x128xf32>
    %eq3A = arith.constant 0 : i32
    %eq3A_80 = arith.cmpi eq, %arg0, %eq3A : i32
    %convert_element_type3A = arith.extui %eq3A_80 : i1 to i32
    %cond3A = arith.constant 0 : i32
    %cond3A_81 = arith.cmpi ne, %convert_element_type3A, %cond3A : i32
    scf.if %cond3A_81 {
      %broadcast_in_dim3A_93 = arith.constant 0.000000e+00 : f32
      %broadcast_in_dim3A_94 = vector.broadcast %broadcast_in_dim3A_93 : f32 to vector<1x128xf32>
      %swap3A_95 = arith.constant 0 : index
      %swap3A_96 = arith.constant 0 : index
      %swap3A_97 = vector.load %arg17[%swap3A_95, %swap3A_96] : memref<1x128xf32, #tpu.memory_space<vmem>>, vector<1x128xf32>
      tpu.vector_store %arg17[%swap3A_95, %swap3A_96], %broadcast_in_dim3A_94 {strides = array<i32>} : memref<1x128xf32, #tpu.memory_space<vmem>>, vector<1x128xf32>,
      %broadcast_in_dim3A_98 = arith.constant 0.000000e+00 : f32
      %broadcast_in_dim3A_99 = vector.broadcast %broadcast_in_dim3A_98 : f32 to vector<1x64xf32>
      %swap3A_100 = arith.constant 0 : index
      %swap3A_101 = arith.constant 0 : index
      %swap3A_102 = vector.load %arg18[%swap3A_100, %swap3A_101] : memref<1x64xf32, #tpu.memory_space<vmem>>, vector<1x64xf32>
      tpu.vector_store %arg18[%swap3A_100, %swap3A_101], %broadcast_in_dim3A_99 {strides = array<i32>} : memref<1x64xf32, #tpu.memory_space<vmem>>, vector<1x64xf32>,
    } else {
    }
    %get3A_82 = arith.constant 0 : index
    %get3A_83 = arith.constant 0 : index
    %get3A_84 = vector.load %arg17[%get3A_82, %get3A_83] : memref<1x128xf32, #tpu.memory_space<vmem>>, vector<1x128xf32>
    %add3A_85 = arith.addf %get3A_84, %broadcast_in_dim3A : vector<1x128xf32>
    %swap3A = arith.constant 0 : index
    %swap3A_86 = arith.constant 0 : index
    %swap3A_87 = vector.load %arg17[%swap3A, %swap3A_86] : memref<1x128xf32, #tpu.memory_space<vmem>>, vector<1x128xf32>
    tpu.vector_store %arg17[%swap3A, %swap3A_86], %add3A_85 {strides = array<i32>} : memref<1x128xf32, #tpu.memory_space<vmem>>, vector<1x128xf32>,
    %eq3A_88 = arith.constant 24 : i32
    %eq3A_89 = arith.cmpi eq, %arg0, %eq3A_88 : i32
    %convert_element_type3A_90 = arith.extui %eq3A_89 : i1 to i32
    %cond3A_91 = arith.constant 0 : i32
    %cond3A_92 = arith.cmpi ne, %convert_element_type3A_90, %cond3A_91 : i32
    scf.if %cond3A_92 {
      %get3A_93 = arith.constant 0 : index
      %get3A_94 = arith.constant 0 : index
      %get3A_95 = vector.load %arg17[%get3A_93, %get3A_94] : memref<1x128xf32, #tpu.memory_space<vmem>>, vector<1x128xf32>
      %slice3A = vector.extract_strided_slice %get3A_95 {offsets = [0, 0], sizes = [1, 64], strides = [1, 1]} : vector<1x128xf32> to vector<1x64xf32>
      %slice3A_96 = vector.extract_strided_slice %get3A_95 {offsets = [0, 64], sizes = [1, 64], strides = [1, 1]} : vector<1x128xf32> to vector<1x64xf32>
      %add3A_97 = arith.addf %slice3A, %slice3A_96 : vector<1x64xf32>
      %get3A_98 = arith.constant 0 : index
      %get3A_99 = arith.constant 0 : index
      %get3A_100 = vector.load %arg16[%get3A_98, %get3A_99] : memref<1x64xf32, #tpu.memory_space<vmem>>, vector<1x64xf32>
      %concatenate3A = tpu.concatenate %add3A_97, %get3A_100 in 1 : vector<1x64xf32>, vector<1x64xf32> -> vector<1x128xf32>
      %get3A_101 = arith.constant 0 : index
      %get3A_102 = arith.constant 0 : index
      %get3A_103 = vector.load %arg14[%get3A_101, %get3A_102] : memref<128x64xf32, #tpu.memory_space<vmem>>, vector<128x64xf32>
      %dot_general3A_104 = arith.constant dense<0.000000e+00> : vector<1x64xf32>
      %dot_general3A_105 = tpu.matmul %concatenate3A, %get3A_103, %dot_general3A_104 {dimension_numbers = #tpu.dot_dimension_numbers<[1], [0], [0], [1], [0, 0, 1, 1], [], []>, transpose_lhs_hint = false} : vector<1x128xf32>, vector<128x64xf32>, vector<1x64xf32> -> vector<1x64xf32>
      %get3A_106 = arith.constant 0 : index
      %get3A_107 = arith.constant 0 : index
      %get3A_108 = vector.load %arg15[%get3A_106, %get3A_107] : memref<1x64xf32, #tpu.memory_space<vmem>>, vector<1x64xf32>
      %add3A_109 = arith.addf %dot_general3A_105, %get3A_108 : vector<1x64xf32>
      %tanh3A_110 = math.tanh %add3A_109 : vector<1x64xf32>
      %swap3A_111 = arith.constant 0 : index
      %swap3A_112 = arith.constant 0 : index
      %swap3A_113 = vector.load %arg18[%swap3A_111, %swap3A_112] : memref<1x64xf32, #tpu.memory_space<vmem>>, vector<1x64xf32>
      tpu.vector_store %arg18[%swap3A_111, %swap3A_112], %tanh3A_110 {strides = array<i32>} : memref<1x64xf32, #tpu.memory_space<vmem>>, vector<1x64xf32>,
    } else {
    }
    return
  }
  func.func @transform_0(%arg0: i32) -> (i32, i32) {
    %c0_i32 = arith.constant 0 : i32
    %c0_i32_0 = arith.constant 0 : i32
    return %arg0, %c0_i32 : i32, i32
  }
  func.func @transform_1(%arg0: i32) -> (i32, i32) {
    %c0_i32 = arith.constant 0 : i32
    %c0_i32_0 = arith.constant 0 : i32
    return %arg0, %c0_i32 : i32, i32
  }
  func.func @transform_2(%arg0: i32) -> (i32, i32) {
    %c0_i32 = arith.constant 0 : i32
    %c0_i32_0 = arith.constant 0 : i32
    return %arg0, %c0_i32 : i32, i32
  }
  func.func @transform_3(%arg0: i32) -> (i32, i32) {
    %c0_i32 = arith.constant 0 : i32
    %c0_i32_0 = arith.constant 0 : i32
    return %arg0, %c0_i32 : i32, i32
  }
  func.func @transform_4(%arg0: i32) -> (i32, i32) {
    %c0_i32 = arith.constant 0 : i32
    %c0_i32_0 = arith.constant 0 : i32
    return %arg0, %c0_i32 : i32, i32
  }
  func.func @transform_5(%arg0: i32) -> (i32, i32) {
    %c0_i32 = arith.constant 0 : i32
    %c0_i32_0 = arith.constant 0 : i32
    %c0_i32_1 = arith.constant 0 : i32
    return %c0_i32, %c0_i32_0 : i32, i32
  }
  func.func @transform_6(%arg0: i32) -> (i32, i32) {
    %c0_i32 = arith.constant 0 : i32
    %c0_i32_0 = arith.constant 0 : i32
    %c0_i32_1 = arith.constant 0 : i32
    return %c0_i32, %c0_i32_0 : i32, i32
  }
  func.func @transform_7(%arg0: i32) -> (i32, i32) {
    %c0_i32 = arith.constant 0 : i32
    %c0_i32_0 = arith.constant 0 : i32
    %c0_i32_1 = arith.constant 0 : i32
    return %c0_i32, %c0_i32_0 : i32, i32
  }
  func.func @transform_8(%arg0: i32) -> (i32, i32) {
    %c0_i32 = arith.constant 0 : i32
    %c0_i32_0 = arith.constant 0 : i32
    %c0_i32_1 = arith.constant 0 : i32
    return %c0_i32, %c0_i32_0 : i32, i32
  }
  func.func @transform_9(%arg0: i32) -> (i32, i32) {
    %c0_i32 = arith.constant 0 : i32
    %c0_i32_0 = arith.constant 0 : i32
    %c0_i32_1 = arith.constant 0 : i32
    return %c0_i32, %c0_i32_0 : i32, i32
  }
  func.func @transform_10(%arg0: i32) -> (i32, i32) {
    %c0_i32 = arith.constant 0 : i32
    %c0_i32_0 = arith.constant 0 : i32
    %c0_i32_1 = arith.constant 0 : i32
    return %c0_i32, %c0_i32_0 : i32, i32
  }
  func.func @transform_11(%arg0: i32) -> (i32, i32) {
    %c0_i32 = arith.constant 0 : i32
    %c0_i32_0 = arith.constant 0 : i32
    %c0_i32_1 = arith.constant 0 : i32
    return %c0_i32, %c0_i32_0 : i32, i32
  }
  func.func @transform_12(%arg0: i32) -> (i32, i32) {
    %c0_i32 = arith.constant 0 : i32
    %c0_i32_0 = arith.constant 0 : i32
    %c0_i32_1 = arith.constant 0 : i32
    return %c0_i32, %c0_i32_0 : i32, i32
  }
  func.func @transform_13(%arg0: i32) -> (i32, i32) {
    %c0_i32 = arith.constant 0 : i32
    %c0_i32_0 = arith.constant 0 : i32
    %c0_i32_1 = arith.constant 0 : i32
    return %c0_i32, %c0_i32_0 : i32, i32
  }
  func.func @transform_14(%arg0: i32) -> (i32, i32) {
    %c0_i32 = arith.constant 0 : i32
    %c0_i32_0 = arith.constant 0 : i32
    %c0_i32_1 = arith.constant 0 : i32
    return %c0_i32, %c0_i32_0 : i32, i32
  }
  func.func @transform_15(%arg0: i32) -> (i32, i32) {
    %c0_i32 = arith.constant 0 : i32
    %c0_i32_0 = arith.constant 0 : i32
    %c0_i32_1 = arith.constant 0 : i32
    return %c0_i32, %c0_i32_0 : i32, i32
  }
  func.func @transform_16(%arg0: i32) -> (i32, i32) {
    %c0_i32 = arith.constant 0 : i32
    %c0_i32_0 = arith.constant 0 : i32
    %c0_i32_1 = arith.constant 0 : i32
    return %c0_i32, %c0_i32_0 : i32, i32
  }
  func.func @transform_17(%arg0: i32) -> (i32, i32) {
    %c0_i32 = arith.constant 0 : i32
    %c0_i32_0 = arith.constant 0 : i32
    %c0_i32_1 = arith.constant 0 : i32
    return %c0_i32, %c0_i32_0 : i32, i32
  }
}

</mosaic_0001>

<sc_bundles>
// kernel: kernel.6.cloned.1.call-start
scs
__scs_entry_jumppad:
0x0: {  	(pc) =	sbr.rel $0x88, $3  }
0x1: {  	(tag) =	ssettag $0x0;
	lr =	simm.s32 $0x1  }
0x2: {  	[smem:$0x3F8E] =	sst lr;
	_ =	strace $0xD0000000  }
0x3: {  	_ = 	snop  }
0x4: {  	_ = 	snop  }
0x5: {  	_ = 	snop  }
0x6: {  	_ = 	snop  }
0x7: {  	_ = 	snop  }
__scs_overlays_trampoline_lowered:
0x8: {  	[smem:$0x3F9D] =	sst s0  }
0x9: {  	[smem:$0x3F9E] =	sst s1  }
0xa: {  	[smem:$0x3F9F] =	sst s2  }
0xb: {  	[smem:$0x3FA0] =	sst s3  }
0xc: {  	[smem:$0x3FA1] =	sst s4  }
0xd: {  	[smem:$0x3FA2] =	sst s5  }
0xe: {  	[smem:$0x3FA3] =	sst s6  }
0xf: {  	[smem:$0x3FA4] =	sst s7  }
0x10: {  	[smem:$0x3FA5] =	sst s8  }
0x11: {  	[smem:$0x3FA6] =	sst s9;
	s0 =	simm.s32 @!p0 $0x0  }
0x12: {  	s1 =	sld [smem:$0x3F8C];
	s0 =	simm.s32 @p0 $0x1  }
0x13: {  	[smem:$0x3FA7] =	sst s0;
	s0 =	simm.s32 @!p1 $0x0  }
0x14: {  	s2 =	sld [smem:$0x3F8B];
	s0 =	simm.s32 @p1 $0x1  }
0x15: {  	[smem:$0x3FA8] =	sst s0;
	s0 =	simm.s32 @!p2 $0x0  }
0x16: {  	s3 =	sld [smem:$0x3FDB];
	s0 =	simm.s32 @p2 $0x1  }
0x17: {  	s4 =	simm.s32 $0x1BF5;
	[smem:$0x3FAA] =	sst s0  }
0x18: {  	s0 =	sld [smem:$0x3F8D];
	_ =	swait.ge [sflag:s4], $0x0  }
0x19: {  	s7 =	sld [smem:$0x3F8E]  }
0x1a: {  	s8 =	sadd.s32 $0xFFFFE003, lr  }
0x1b: {  	s9 =	sadd.s32 $0xFFFFFEF7, lr;
	s5 =	simm.s32 $0xFFFFFFFF;
	p2 =	slt.u32 s8, $0xFFFFF086  }
0x1c: {  	p1 =	slt.u32 s9, $0xF7A;
	s5 =	simm.s32 @!p2 $0x0  }
0x1d: {  	s5 =	simm.s32 @p1 $0x1;
	p0 =	seq.s32 s7, s2  }
0x1e: {  	s7 =	smul.u32 @!p0 $0xF7A, s2;
	p2 =	seq.s32 @!p0 s5, $0x0  }
0x1f: {  	s9 =	smul.u32 $0xF7A, s1;
	s8 =	simm.s32 @!p0 $0x1BF5;
	p2 =	por !p2, p0  }
0x20: {  	[sflag:s8] =	ssyncset.s32 @!p0 $0xFFFFF086;
	s6 =	sadd.s32 @!p0 s3, s7;
	s7 =	simm.s32 @!p0 $0x108  }
0x21: {  	s3 =	sadd.s32 s3, s9;
	s6 =	sadd.s32 @!p0 $0x88, s6;
	s7 =	simm.s32 @p2 $0x1082  }
0x22: {  	[simem:s7], [sflag:s8] =	dma.local @!p0 [hbm:s6], $0xF7A  }
0x23: {  	s9 =	sor.u32 $0xD0000000, s2;
	s6 =	simm.s32 $0x108;
	_ =	swait.ge @!p0 [sflag:s8], $0x0  }
0x24: {  	s3 =	sadd.s32 $0x88, s3;
	s6 =	simm.s32 @!p1 $0x1082;
	[sflag:s4] =	ssyncset.s32 $0xFFFFF086  }
0x25: {  	[simem:s6], [sflag:s4] =	dma.local [hbm:s3], $0xF7A  }
0x26: {  	[smem:$0x3F8E] =	sst s1;
	(tag) =	ssettag s2;
	_ =	strace s9  }
0x27: {  	s1 =	sld [smem:$0x3F9E]  }
0x28: {  	s2 =	sld [smem:$0x3F9F]  }
0x29: {  	s4 =	sld [smem:$0x3FA1]  }
0x2a: {  	p0 =	seq.s32 s5, $0x0;
	s5 =	sld [smem:$0x3FA2]  }
0x2b: {  	s6 =	sld [smem:$0x3FA3]  }
0x2c: {  	s7 =	sld [smem:$0x3FA4]  }
0x2d: {  	s3 =	simm.s32 $0x108;
	s8 =	sld [smem:$0x3FA5]  }
0x2e: {  	s3 =	simm.s32 @!p0 $0x1082;
	s9 =	sld [smem:$0x3FA6]  }
0x2f: {  	lr =	sadd.s32 s0, s3;
	s0 =	sld [smem:$0x3F9D]  }
0x30: {  	s3 =	sld [smem:$0x3FA0]  }
0x31: {  	[smem:$0x3FA9] =	sst s10  }
0x32: {  	s10 =	sld [smem:$0x3FA7];
	_ =	sdelay $0x3  }
0x33: {  	p0 =	seq.s32 s10, $0x1;
	s10 =	sld [smem:$0x3FA9];
	_ =	sdelay $0x3  }
0x34: {  	[smem:$0x3FA9] =	sst s10  }
0x35: {  	s10 =	sld [smem:$0x3FA8];
	_ =	sdelay $0x3  }
0x36: {  	p1 =	seq.s32 s10, $0x1;
	s10 =	sld [smem:$0x3FA9];
	_ =	sdelay $0x3  }
0x37: {  	[smem:$0x3FA9] =	sst s10  }
0x38: {  	s10 =	sld [smem:$0x3FAA]  }
0x39: {  	_ = 	snop;
	(pc) =	sbr.ind lr, $3  }
0x3a: {  	_ = 	snop  }
0x3b: {  	_ = 	snop  }
0x3c: {  	p2 =	seq.s32 s10, $0x1;
	s10 =	sld [smem:$0x3FA9]  }
0x3d: {  	_ =	shalt  }
0x3e: {  	_ =	shalt  }
0x3f: {  	_ =	shalt  }
0x40: {  	_ =	shalt  }
0x41: {  	_ =	shalt  }
0x42: {  	_ =	shalt  }
0x43: {  	_ =	shalt  }
0x44: {  	_ =	shalt  }
0x45: {  	_ =	shalt  }
0x46: {  	_ =	shalt  }
0x47: {  	_ =	shalt  }
0x48: {  	_ =	shalt  }
0x49: {  	_ =	shalt  }
0x4a: {  	_ =	shalt  }
0x4b: {  	_ =	shalt  }
0x4c: {  	_ =	shalt  }
0x4d: {  	_ =	shalt  }
0x4e: {  	_ =	shalt  }
0x4f: {  	_ =	shalt  }
0x50: {  	_ =	shalt  }
0x51: {  	_ =	shalt  }
0x52: {  	_ =	shalt  }
0x53: {  	_ =	shalt  }
0x54: {  	_ =	shalt  }
0x55: {  	_ =	shalt  }
0x56: {  	_ =	shalt  }
0x57: {  	_ =	shalt  }
0x58: {  	_ =	shalt  }
0x59: {  	_ =	shalt  }
0x5a: {  	_ =	shalt  }
0x5b: {  	_ =	shalt  }
0x5c: {  	_ =	shalt  }
0x5d: {  	_ =	shalt  }
0x5e: {  	_ =	shalt  }
0x5f: {  	_ =	shalt  }
0x60: {  	_ =	shalt  }
0x61: {  	_ =	shalt  }
0x62: {  	_ =	shalt  }
0x63: {  	_ =	shalt  }
0x64: {  	_ =	shalt  }
0x65: {  	_ =	shalt  }
0x66: {  	_ =	shalt  }
0x67: {  	_ =	shalt  }
0x68: {  	_ =	shalt  }
0x69: {  	_ =	shalt  }
0x6a: {  	_ =	shalt  }
0x6b: {  	_ =	shalt  }
0x6c: {  	_ =	shalt  }
0x6d: {  	_ =	shalt  }
0x6e: {  	_ =	shalt  }
0x6f: {  	_ =	shalt  }
0x70: {  	_ =	shalt  }
0x71: {  	_ =	shalt  }
0x72: {  	_ =	shalt  }
0x73: {  	_ =	shalt  }
0x74: {  	_ =	shalt  }
0x75: {  	_ =	shalt  }
0x76: {  	_ =	shalt  }
0x77: {  	_ =	shalt  }
0x78: {  	_ =	shalt  }
0x79: {  	_ =	shalt  }
0x7a: {  	_ =	shalt  }
0x7b: {  	_ =	shalt  }
0x7c: {  	_ =	shalt  }
0x7d: {  	_ =	shalt  }
0x7e: {  	_ =	shalt  }
0x7f: {  	_ =	shalt  }
0x80: {  	_ =	shalt  }
0x81: {  	_ =	shalt  }
0x82: {  	_ =	shalt  }
0x83: {  	_ =	shalt  }
0x84: {  	_ =	shalt  }
0x85: {  	_ =	shalt  }
0x86: {  	_ =	shalt  }
0x87: {  	_ =	shalt  }
.Lfunc_end0:
.L_simem_size_0:
called_computation_lowered:
.L_overlay_start_0:
0x88: {  	s2 =	sld [smem:$0x3FD9]  }
0x89: {  	s3 =	sld [smem:$0x3FFE];
	_ =	sdelay $0x1  }
0x8a: {  	s1 =	srdreg.scid  }
0x8b: {  	s0 =	sand.u32 $0x1, s1  }
0x8c: {  	s16 =	sshll.u32 s0, $0xA;
	s2 =	sadd.s32 s3, s2  }
0x8d: {  	s2 =	sadd.s32 s2, s16  }
0x8e: {  	[smem:$0x3FB5] =	sst s2  }
0x8f: {  	_ = 	snop  }
0x90: {  	(tm) =	ssettm $0x1  }
0x91: {  	s17 =	sld [smem:$0x3FFB];
	_ =	sdelay $0x3  }
0x92: {  	_ =	strace s17  }
0x93: {  	s2 =	sld [smem:$0x3FFC];
	_ =	sdelay $0x3  }
0x94: {  	_ =	strace s2  }
0x95: {  	s2 =	sld [smem:$0x3FFD];
	_ =	sdelay $0x3  }
0x96: {  	_ =	strace s2  }
0x97: {  	_ =	strace $0x8FFFFFFF  }
0x98: {  	s18 =	sld [smem:$0x3FDB];
	_ =	sdelay $0x1  }
0x99: {  	s19 =	simm.s32 $_scs_section_size  }
0x9a: {  	s4 =	simm.s32 $_size__tile_overlayer_lowered;
	s5 =	simm.s32 $_tile_overlayer_lowered  }
0x9b: {  	s22 =	simm.s32 $0x1BFF;
	s21 =	sshll.u32 s5, $0x1;
	s2 =	sadd.s32 s19, s18  }
0x9c: {  	s6 =	simm.s32 $0x0;
	s20 =	sshll.u32 s4, $0x1;
	s4 =	sadd.s32 s21, s2  }
0x9d: {  	[timem:s6], [sflag:s22] =	dma.local [hbm:s4], s20  }
0x9e: {  	_ =	swait.ge [sflag:s22], s20  }
0x9f: {  	s3 =	ssub.s32 $0x0, s20;
	[sflag:s22] =	ssyncset.done $0x0  }
0xa0: {  	[sflag:s22] =	ssyncadd.s32 s3;
	_ =	sdelay $0x1  }
0xa1: {  	s23 =	simm.s32 $0x1B8B  }
0xa2: {  	_ =	swait.ge [sflag:s23], $0x1  }
0xa3: {  	[sflag:s23] =	ssyncset.done $0x0  }
0xa4: {  	s25 =	simm.s32 $0x1B8E;
	s24 =	sld [smem:$0x3FFE];
	[sflag:s23] =	ssyncadd.s32 $0xFFFFFFFF  }
0xa5: {  	s26 =	simm.s32 $execute0_lowered;
	[smem:$0x3FD2] =	sst s25  }
0xa6: {  	s4 =	sshll.u32 s26, $0x1;
	_ =	strace $0x80000046;
	[dreg:$0x1] =	wrdreg $0xFFFFFFFF  }
0xa7: {  	s28 =	simm.s32 $_size_execute0_lowered;
	s2 =	sadd.s32 s2, s4;
	[dreg:$0x0] =	wrdreg $0x0  }
0xa8: {  	s4 =	sshll.u32 s28, $0x1;
	[dreg:$0x2] =	wrdreg s2  }
0xa9: {  	[dreg:$0x3] =	wrdreg s4  }
0xaa: {  	[dreg:$0x4] =	wrdreg $0xC0  }
0xab: {  	_ =	task [dreg:s6], $0x5FFFF  }
0xac: {  	[dreg:$0x1] =	wrdreg $0xFFFFFFFF  }
0xad: {  	[dreg:$0x0] =	wrdreg $0x60  }
0xae: {  	[dreg:$0x2] =	wrdreg s24  }
0xaf: {  	[dreg:$0x3] =	wrdreg $0xC4000  }
0xb0: {  	[dreg:$0x4] =	wrdreg $0x0  }
0xb1: {  	[dreg:$0x5] =	wrdreg $0x9  }
0xb2: {  	_ =	task.clear_ibuf [dreg:s6], $0x6FFFF;
	_ =	strace $0x90000046  }
0xb3: {  	s29 =	simm.s32 $0x9;
	_ =	strace $0x80000048  }
0xb4: {  	_ =	swait.ge [sflag:s29], $0x1  }
0xb5: {  	[sflag:s29] =	ssyncadd.s32 $0xFFFFFFFF  }
0xb6: {  	_ =	strace $0x90000048  }
0xb7: {  	_ =	sfence  }
0xb8: {  	s30 =	sld [smem:$0x0];
	_ =	sdelay $0x2  }
0xb9: {  	s31 =	sshll.u32 s1, $0xD;
	s1 =	sshrl.u32 s1, $0x2  }
0xba: {  	s3 =	sand.u32 $0x4000, s31;
	s1 =	sadd.s32 s1, s30  }
0xbb: {  	s0 =	sor.u32 s3, s0;
	s1 =	sshll.u32 s1, $0x11  }
0xbc: {  	s0 =	sor.u32 s1, s0  }
0xbd: {  	s0 =	sadd.s32 $0x8F2B, s0  }
0xbe: {  	[sflag:s0] =	ssyncadd.remote.s32 $0x1  }
0xbf: {  	_ =	sfence.sel $0xFFFF  }
0xc0: {  	[dreg:$0x0] =	wrdreg $0xFFFFFFFF;
	(pc) =	sbr.abs _section_cstart, $3  }
0xc1: {  	[dreg:$0x1] =	wrdreg $0xFFFFFFFF  }
0xc2: {  	_ =	task.clear_ibuf [dreg:s6], $0x2FFFF;
	_ =	strace $0x9FFFFFFF  }
0xc3: {  	(tm) =	ssettm $0x7FFFFFFF  }
tec
execute0_lowered:
.L_overlay_start_1:
0x0: {  	(tag) =	ssettag $0x1  }
0x1: {  	s0 =	rddreg [dreg:$0x0]  }
0x2: {  	s1 =	rddreg [dreg:$0x1]  }
0x3: {  	s3 =	rddreg [dreg:$0x2]  }
0x4: {  	s4 =	simm.s32 $0x0;
	s10 =	stileid.u32;
	s5 =	srdreg.scid  }
0x5: {  	s16 =	simm.s32 $0x5;
	s17 =	simm.s32 $0x1;
	s18 =	simm.s32 $0x2  }
0x6: {  	s20 =	simm.s32 $0x18800;
	s21 =	simm.s32 $0x19C00;
	s28 =	simm.s32 $0x3  }
0x7: {  	s31 =	simm.s32 $0x4;
	[smem:$0x7FF] =	sst s4;
	s2 =	smul.u32 $0x1900, s10  }
0x8: {  	s6 =	sadd.s32 $0x5000, s0;
	s5 =	sand.u32 $0x1, s5;
	s8 =	smul.u32 $0x31000, s10  }
0x9: {  	s10 =	smul.u32 $0x30E00, s10;
	_ =	strace $0x80000047;
	s7 =	ssub.s32 $0x2, s5  }
0xa: {  	s22 =	sshll.u32 s5, $0x5;
	s2 =	sadd.s32 s2, s0;
	s0 =	sadd.s32 $0x99000, s0  }
0xb: {  	s9 =	sshrl.u32 s7, $0x1;
	s11 =	sshrl.u32 s8, $0x2;
	s12 =	sor.u32 s22, s8  }
0xc: {  	s13 =	sor.u32 s22, s10;
	s26 =	sshrl.u32 s10, $0x2;
	s7 =	ssub.s32 s7, s9  }
0xd: {  	s5 =	sadd.s32 s11, s1;
	s11 =	sadd.s32 s11, s3;
	s23 =	sshrl.u32 s12, $0x3  }
0xe: {  	s24 =	sshrl.u32 s13, $0x3;
	s9 =	sor.u32 $0x10, s22;
	s29 =	sadd.s32 s26, s1  }
0xf: {  	s13 =	sadd.s32 $0x80000, s2;
	s14 =	sadd.s32 $0x67000, s2;
	s2 =	simm.s32 $0x1F000  }
0x10: {  	s22 =	simm.s32 $0x200;
	[dreg:$0x4] =	wrdreg s11;
	s11 =	sadd.s32 s6, s23  }
0x11: {  	s25 =	sadd.s32 s0, s24;
	s8 =	sor.u32 s8, s9;
	[dreg:$0x7] =	wrdreg s29  }
0x12: {  	s9 =	sor.u32 s10, s9;
	s30 =	smax.u32 s7, $0x1;
	[dreg:$0x5] =	wrdreg s11  }
0x13: {  	s23 =	simm.s32 $0x1B000;
	[dreg:$0x6] =	wrdreg s25;
	s8 =	sshrl.u32 s8, $0x3  }
0x14: {  	s9 =	sshrl.u32 s9, $0x3;
	[dreg:$0xa] =	wrdreg s30;
	s6 =	sadd.s32 s6, s8  }
0x15: {  	s7 =	simm.s32 $0x0;
	s0 =	sadd.s32 s0, s9;
	[dreg:$0x8] =	wrdreg s6  }
0x16: {  	v0 =	vimm.f32 $0.0e+00;
	s25 =	simm.s32 $0x1D000;
	[dreg:$0x9] =	wrdreg s0;
	s6 =	simm.s32 $0x18A00  }
.LBB2_1:
0x17: {  	s0 =	simm.s32 $0x0  }
.LBB2_2:
0x18: {  	p0 =	sne.s32 s0, $0xFC0  }
.Ltmp0:
0x19: {  	_ = 	snop;
	(pc) =	sbr.rel @p0 .LBB2_2-.Ltmp0, $3  }
0x1a: {  	_ =	sdelay $0x1  }
0x1b: {  	s30 =	sshra.s32 s0, $0x2  }
0x1c: {  	s0 =	sadd.s32 $0x40, s0;
	[tilespmem:s30+$0x1F000] =	vst v0  }
0x1d: {  	[dreg:$0xb] =	wrdreg s7;
	s0 =	sadd.s32 $0x0, s5  }
0x1e: {  	[spmem:s0] =	stream.linear.scatter [tilespmem:s2], [sflag:$0x5], $0x400, $0x38;
	[tilespmem:$0x1F400] =	vst v63  }
0x1f: {  	s0 =	simm.s32 $0x1000;
	_ =	swait.ge [sflag:s16], $0x400  }
.LBB2_4:
0x20: {  	s30 =	sshra.s32 s0, $0x2;
	[sflag:s16] =	ssyncset.done $0x0;
	p0 =	sne.s32 s0, $0x30000  }
.Ltmp1:
0x21: {  	s30 =	sadd.s32 s30, s5;
	[sflag:s16] =	ssyncadd.s32 $0xFFFFFC00;
	(pc) =	sbr.rel @p0 .LBB2_4-.Ltmp1, $3  }
0x22: {  	[spmem:s30] =	stream.linear.scatter [tilespmem:s2], [sflag:$0x5], $0x400, $0x38;
	[tilespmem:$0x1F400] =	vst v63  }
0x23: {  	s0 =	sadd.s32 $0x1000, s0;
	_ =	sdelay $0x1  }
0x24: {  	_ =	swait.ge [sflag:s16], $0x400  }
0x25: {  	s0 =	stileid.u32;
	s10 =	rddreg [dreg:$0x4]  }
0x26: {  	s11 =	rddreg [dreg:$0x5];
	s0 =	sshll.u32 s0, $0x6;
	s8 =	sshrl.u32 s10, $0x3  }
0x27: {  	[sflag:s16] =	ssyncset.done $0x0;
	s7 =	sor.u32 $0x1C05, s0;
	[dreg:$0xd] =	wrdreg s8  }
0x28: {  	s2 =	simm.s32 $0x8;
	[sflag:s16] =	ssyncadd.s32 $0xFFFFFC00;
	[dreg:$0xc] =	wrdreg s7  }
0x29: {  	[spmem:s8@s18], [sflag:s7] =	dma.strided [hbm:s11@s2], $0x1880, s17, $0x2   }
0x2a: {  	_ =	swait.ge [sflag:s16], $0x1880  }
0x2b: {  	[sflag:s16] =	ssyncset.done $0x0  }
0x2c: {  	p0 =	por $0x1, $0x1;
	[sflag:s16] =	ssyncadd.s32 $0xFFFFE780  }
0x2d: {  	s0 =	simm.s32 @!p0 $0x3;
	[bflag:$0x0] =	sbarrier.arrive $0xFFFF  }
0x2e: {  	_ =	swait.ge @!p0 [sflag:s0], $0x2000  }
0x2f: {  	[sflag:s0] =	ssyncset.done @!p0 $0x0  }
0x30: {  	[sflag:s0] =	ssyncadd.s32 @!p0 $0xFFFFE000;
	s0 =	simm.s32 @!p0 $0x4  }
0x31: {  	_ =	swait.ge @!p0 [sflag:s0], $0x2000  }
0x32: {  	[sflag:s0] =	ssyncset.done @!p0 $0x0  }
0x33: {  	s12 =	sadd.s32 $0x0, s14;
	[sflag:s0] =	ssyncadd.s32 @!p0 $0xFFFFE000  }
0x34: {  	[tilespmem:s20], [sflag:$0x5] =	stream.linear.gather [hbm4b:s12+s4], $0x1400, $0x38;
	[tilespmem:$0x1F400] =	vst v63  }
0x35: {  	_ =	swait.ge [sflag:s16], $0x1400  }
0x36: {  	[sflag:s16] =	ssyncset.done $0x0  }
0x37: {  	s15 =	sadd.s32 $0x0, s13;
	[sflag:s16] =	ssyncadd.s32 $0xFFFFEC00  }
0x38: {  	[tilespmem:s21], [sflag:$0x5] =	stream.linear.gather [hbm4b:s15+s4], $0x1400, $0x38;
	[tilespmem:$0x1F400] =	vst v63  }
0x39: {  	_ =	swait.ge [sflag:s16], $0x1400  }
0x3a: {  	[sflag:s16] =	ssyncset.done $0x0  }
0x3b: {  	[sflag:s16] =	ssyncadd.s32 $0xFFFFEC00  }
0x3c: {  	[tilespmem:s23], [sflag:$0x1] =	stream.indirect.gather [spmem:s3], $0x10, s20, s22, $0xb8;
	[tilespmem:$0x1F400] =	vst v63  }
0x3d: {  	_ =	swait.ge [sflag:s17], $0x2000  }
0x3e: {  	[sflag:s17] =	ssyncset.done $0x0  }
0x3f: {  	[sflag:s17] =	ssyncadd.s32 $0xFFFFE000  }
0x40: {  	[spmem:s1] =	stream.indirect.scatter.add.f32 [tilespmem:s23], [sflag:$0x3], $0x10, s21, s22, $0xb8;
	[tilespmem:$0x1F400] =	vst v63  }
0x41: {  	_ = 	snop  }
0x42: {  	[tilespmem:s25], [sflag:$0x2] =	stream.indirect.gather [spmem:s3], $0x10, s6, s22, $0xb8;
	[tilespmem:$0x1F400] =	vst v63  }
0x43: {  	_ =	swait.ge [sflag:s18], $0x2000  }
0x44: {  	[sflag:s18] =	ssyncset.done $0x0  }
0x45: {  	s19 =	simm.s32 $0x19E00;
	[sflag:s18] =	ssyncadd.s32 $0xFFFFE000  }
0x46: {  	[spmem:s1] =	stream.indirect.scatter.add.f32 [tilespmem:s25], [sflag:$0x4], $0x10, s19, s22, $0xb8;
	[tilespmem:$0x1F400] =	vst v63  }
0x47: {  	_ =	swait.ge [sflag:s28], $0x2000  }
0x48: {  	[sflag:s28] =	ssyncset.done $0x0  }
0x49: {  	s24 =	simm.s32 $0x18C00;
	[sflag:s28] =	ssyncadd.s32 $0xFFFFE000  }
0x4a: {  	[tilespmem:s23], [sflag:$0x1] =	stream.indirect.gather [spmem:s3], $0x10, s24, s22, $0xb8;
	[tilespmem:$0x1F400] =	vst v63  }
0x4b: {  	_ =	swait.ge [sflag:s17], $0x2000  }
0x4c: {  	[sflag:s17] =	ssyncset.done $0x0  }
0x4d: {  	s26 =	simm.s32 $0x1A000;
	[sflag:s17] =	ssyncadd.s32 $0xFFFFE000  }
0x4e: {  	[spmem:s1] =	stream.indirect.scatter.add.f32 [tilespmem:s23], [sflag:$0x3], $0x10, s26, s22, $0xb8;
	[tilespmem:$0x1F400] =	vst v63  }
0x4f: {  	_ =	swait.ge [sflag:s31], $0x2000  }
0x50: {  	[sflag:s31] =	ssyncset.done $0x0  }
0x51: {  	s9 =	simm.s32 $0x18E00;
	[sflag:s31] =	ssyncadd.s32 $0xFFFFE000  }
0x52: {  	[tilespmem:s25], [sflag:$0x2] =	stream.indirect.gather [spmem:s3], $0x10, s9, s22, $0xb8;
	[tilespmem:$0x1F400] =	vst v63  }
0x53: {  	_ =	swait.ge [sflag:s18], $0x2000  }
0x54: {  	[sflag:s18] =	ssyncset.done $0x0  }
0x55: {  	s10 =	simm.s32 $0x1A200;
	[sflag:s18] =	ssyncadd.s32 $0xFFFFE000  }
0x56: {  	[spmem:s1] =	stream.indirect.scatter.add.f32 [tilespmem:s25], [sflag:$0x4], $0x10, s10, s22, $0xb8;
	[tilespmem:$0x1F400] =	vst v63  }
0x57: {  	_ =	swait.ge [sflag:s28], $0x2000  }
0x58: {  	[sflag:s28] =	ssyncset.done $0x0  }
0x59: {  	s11 =	simm.s32 $0x19000;
	[sflag:s28] =	ssyncadd.s32 $0xFFFFE000  }
0x5a: {  	[tilespmem:s23], [sflag:$0x1] =	stream.indirect.gather [spmem:s3], $0x10, s11, s22, $0xb8;
	[tilespmem:$0x1F400] =	vst v63  }
0x5b: {  	_ =	swait.ge [sflag:s17], $0x2000  }
0x5c: {  	[sflag:s17] =	ssyncset.done $0x0  }
0x5d: {  	s12 =	simm.s32 $0x1A400;
	[sflag:s17] =	ssyncadd.s32 $0xFFFFE000  }
0x5e: {  	[spmem:s1] =	stream.indirect.scatter.add.f32 [tilespmem:s23], [sflag:$0x3], $0x10, s12, s22, $0xb8;
	[tilespmem:$0x1F400] =	vst v63  }
0x5f: {  	_ =	swait.ge [sflag:s31], $0x2000  }
0x60: {  	[sflag:s31] =	ssyncset.done $0x0  }
0x61: {  	s19 =	simm.s32 $0x19200;
	[sflag:s31] =	ssyncadd.s32 $0xFFFFE000  }
0x62: {  	[tilespmem:s25], [sflag:$0x2] =	stream.indirect.gather [spmem:s3], $0x10, s19, s22, $0xb8;
	[tilespmem:$0x1F400] =	vst v63  }
0x63: {  	_ =	swait.ge [sflag:s18], $0x2000  }
0x64: {  	[sflag:s18] =	ssyncset.done $0x0  }
0x65: {  	s15 =	simm.s32 $0x1A600;
	[sflag:s18] =	ssyncadd.s32 $0xFFFFE000  }
0x66: {  	[spmem:s1] =	stream.indirect.scatter.add.f32 [tilespmem:s25], [sflag:$0x4], $0x10, s15, s22, $0xb8;
	[tilespmem:$0x1F400] =	vst v63  }
0x67: {  	_ =	swait.ge [sflag:s28], $0x2000  }
0x68: {  	[sflag:s28] =	ssyncset.done $0x0  }
0x69: {  	s24 =	simm.s32 $0x19400;
	[sflag:s28] =	ssyncadd.s32 $0xFFFFE000  }
0x6a: {  	[tilespmem:s23], [sflag:$0x1] =	stream.indirect.gather [spmem:s3], $0x10, s24, s22, $0xb8;
	[tilespmem:$0x1F400] =	vst v63  }
0x6b: {  	_ =	swait.ge [sflag:s17], $0x2000  }
0x6c: {  	[sflag:s17] =	ssyncset.done $0x0  }
0x6d: {  	s26 =	simm.s32 $0x1A800;
	[sflag:s17] =	ssyncadd.s32 $0xFFFFE000  }
0x6e: {  	[spmem:s1] =	stream.indirect.scatter.add.f32 [tilespmem:s23], [sflag:$0x3], $0x10, s26, s22, $0xb8;
	[tilespmem:$0x1F400] =	vst v63  }
0x6f: {  	_ =	swait.ge [sflag:s31], $0x2000  }
0x70: {  	[sflag:s31] =	ssyncset.done $0x0  }
0x71: {  	s29 =	simm.s32 $0x19600;
	[sflag:s31] =	ssyncadd.s32 $0xFFFFE000  }
0x72: {  	[tilespmem:s25], [sflag:$0x2] =	stream.indirect.gather [spmem:s3], $0x10, s29, s22, $0xb8;
	[tilespmem:$0x1F400] =	vst v63  }
0x73: {  	_ =	swait.ge [sflag:s18], $0x2000  }
0x74: {  	[sflag:s18] =	ssyncset.done $0x0  }
0x75: {  	s2 =	simm.s32 $0x1AA00;
	[sflag:s18] =	ssyncadd.s32 $0xFFFFE000  }
0x76: {  	[spmem:s1] =	stream.indirect.scatter.add.f32 [tilespmem:s25], [sflag:$0x4], $0x10, s2, s22, $0xb8;
	[tilespmem:$0x1F400] =	vst v63  }
0x77: {  	_ =	swait.ge [sflag:s28], $0x2000  }
0x78: {  	[sflag:s28] =	ssyncset.done $0x0  }
0x79: {  	s6 =	simm.s32 $0x19800;
	[sflag:s28] =	ssyncadd.s32 $0xFFFFE000  }
0x7a: {  	[tilespmem:s23], [sflag:$0x1] =	stream.indirect.gather [spmem:s3], $0x10, s6, s22, $0xb8;
	[tilespmem:$0x1F400] =	vst v63  }
0x7b: {  	_ =	swait.ge [sflag:s17], $0x2000  }
0x7c: {  	[sflag:s17] =	ssyncset.done $0x0  }
0x7d: {  	s7 =	simm.s32 $0x1AC00;
	[sflag:s17] =	ssyncadd.s32 $0xFFFFE000  }
0x7e: {  	[spmem:s1] =	stream.indirect.scatter.add.f32 [tilespmem:s23], [sflag:$0x3], $0x10, s7, s22, $0xb8;
	[tilespmem:$0x1F400] =	vst v63  }
0x7f: {  	_ =	swait.ge [sflag:s31], $0x2000  }
0x80: {  	[sflag:s31] =	ssyncset.done $0x0  }
0x81: {  	s8 =	simm.s32 $0x19A00;
	[sflag:s31] =	ssyncadd.s32 $0xFFFFE000  }
0x82: {  	[tilespmem:s25], [sflag:$0x2] =	stream.indirect.gather [spmem:s3], $0x10, s8, s22, $0xb8;
	[tilespmem:$0x1F400] =	vst v63  }
0x83: {  	s30 =	simm.s32 $0x280;
	p1 =	por $0x0, $0x0;
	_ =	swait.ge [sflag:s18], $0x2000  }
0x84: {  	s0 =	simm.s32 $0x500;
	s7 =	simm.s32 $0x1AE00;
	[sflag:s18] =	ssyncset.done $0x0  }
.LBB2_6:
0x85: {  	s2 =	simm.s32 @!p1 $0x3  }
0x86: {  	[sflag:s18] =	ssyncadd.s32 $0xFFFFE000;
	s6 =	smov.u32 s0;
	s0 =	sadd.s32 $0x280, s0  }
0x87: {  	[spmem:s1] =	stream.indirect.scatter.add.f32 [tilespmem:s25], [sflag:$0x4], $0x10, s7, s22, $0xb8;
	[tilespmem:$0x1F400] =	vst v63  }
0x88: {  	p0 =	sne.s32 s0, $0x1900;
	_ =	swait.ge @!p1 [sflag:s2], $0x2000  }
0x89: {  	[sflag:s2] =	ssyncset.done @!p1 $0x0  }
0x8a: {  	[sflag:s2] =	ssyncadd.s32 @!p1 $0xFFFFE000;
	s2 =	simm.s32 @!p1 $0x4  }
0x8b: {  	_ =	swait.ge @!p1 [sflag:s2], $0x2000  }
0x8c: {  	[sflag:s2] =	ssyncset.done @!p1 $0x0  }
0x8d: {  	[sflag:s2] =	ssyncadd.s32 @!p1 $0xFFFFE000;
	s2 =	sadd.s32 s30, s14  }
0x8e: {  	[tilespmem:s20], [sflag:$0x5] =	stream.linear.gather [hbm4b:s2+s4], $0x1400, $0x38;
	[tilespmem:$0x1F400] =	vst v63  }
0x8f: {  	_ =	swait.ge [sflag:s16], $0x1400  }
0x90: {  	s2 =	sadd.s32 s30, s13;
	[sflag:s16] =	ssyncset.done $0x0  }
0x91: {  	s30 =	smov.u32 s6;
	s6 =	simm.s32 $0x18A00;
	[sflag:s16] =	ssyncadd.s32 $0xFFFFEC00  }
0x92: {  	[tilespmem:s21], [sflag:$0x5] =	stream.linear.gather [hbm4b:s2+s4], $0x1400, $0x38;
	[tilespmem:$0x1F400] =	vst v63  }
0x93: {  	s2 =	simm.s32 $0x19E00  }
0x94: {  	_ =	swait.ge [sflag:s16], $0x1400  }
0x95: {  	[sflag:s16] =	ssyncset.done $0x0  }
0x96: {  	[sflag:s16] =	ssyncadd.s32 $0xFFFFEC00  }
0x97: {  	[tilespmem:s23], [sflag:$0x1] =	stream.indirect.gather [spmem:s3], $0x10, s20, s22, $0xb8;
	[tilespmem:$0x1F400] =	vst v63  }
0x98: {  	_ =	swait.ge [sflag:s17], $0x2000  }
0x99: {  	[sflag:s17] =	ssyncset.done $0x0  }
0x9a: {  	[sflag:s17] =	ssyncadd.s32 $0xFFFFE000  }
0x9b: {  	[spmem:s1] =	stream.indirect.scatter.add.f32 [tilespmem:s23], [sflag:$0x3], $0x10, s21, s22, $0xb8;
	[tilespmem:$0x1F400] =	vst v63  }
0x9c: {  	_ = 	snop  }
0x9d: {  	[tilespmem:s25], [sflag:$0x2] =	stream.indirect.gather [spmem:s3], $0x10, s6, s22, $0xb8;
	[tilespmem:$0x1F400] =	vst v63  }
0x9e: {  	_ =	swait.ge [sflag:s18], $0x2000  }
0x9f: {  	[sflag:s18] =	ssyncset.done $0x0  }
0xa0: {  	[sflag:s18] =	ssyncadd.s32 $0xFFFFE000  }
0xa1: {  	[spmem:s1] =	stream.indirect.scatter.add.f32 [tilespmem:s25], [sflag:$0x4], $0x10, s2, s22, $0xb8;
	[tilespmem:$0x1F400] =	vst v63  }
0xa2: {  	_ =	swait.ge [sflag:s28], $0x2000  }
0xa3: {  	[sflag:s28] =	ssyncset.done $0x0  }
0xa4: {  	s8 =	simm.s32 $0x18C00;
	[sflag:s28] =	ssyncadd.s32 $0xFFFFE000  }
0xa5: {  	[tilespmem:s23], [sflag:$0x1] =	stream.indirect.gather [spmem:s3], $0x10, s8, s22, $0xb8;
	[tilespmem:$0x1F400] =	vst v63  }
0xa6: {  	_ =	swait.ge [sflag:s17], $0x2000  }
0xa7: {  	[sflag:s17] =	ssyncset.done $0x0  }
0xa8: {  	s8 =	simm.s32 $0x1A000;
	[sflag:s17] =	ssyncadd.s32 $0xFFFFE000  }
0xa9: {  	[spmem:s1] =	stream.indirect.scatter.add.f32 [tilespmem:s23], [sflag:$0x3], $0x10, s8, s22, $0xb8;
	[tilespmem:$0x1F400] =	vst v63  }
0xaa: {  	_ =	swait.ge [sflag:s31], $0x2000  }
0xab: {  	[sflag:s31] =	ssyncset.done $0x0  }
0xac: {  	[sflag:s31] =	ssyncadd.s32 $0xFFFFE000  }
0xad: {  	[tilespmem:s25], [sflag:$0x2] =	stream.indirect.gather [spmem:s3], $0x10, s9, s22, $0xb8;
	[tilespmem:$0x1F400] =	vst v63  }
0xae: {  	_ =	swait.ge [sflag:s18], $0x2000  }
0xaf: {  	[sflag:s18] =	ssyncset.done $0x0  }
0xb0: {  	[sflag:s18] =	ssyncadd.s32 $0xFFFFE000  }
0xb1: {  	[spmem:s1] =	stream.indirect.scatter.add.f32 [tilespmem:s25], [sflag:$0x4], $0x10, s10, s22, $0xb8;
	[tilespmem:$0x1F400] =	vst v63  }
0xb2: {  	_ =	swait.ge [sflag:s28], $0x2000  }
0xb3: {  	[sflag:s28] =	ssyncset.done $0x0  }
0xb4: {  	[sflag:s28] =	ssyncadd.s32 $0xFFFFE000  }
0xb5: {  	[tilespmem:s23], [sflag:$0x1] =	stream.indirect.gather [spmem:s3], $0x10, s11, s22, $0xb8;
	[tilespmem:$0x1F400] =	vst v63  }
0xb6: {  	_ =	swait.ge [sflag:s17], $0x2000  }
0xb7: {  	[sflag:s17] =	ssyncset.done $0x0  }
0xb8: {  	[sflag:s17] =	ssyncadd.s32 $0xFFFFE000  }
0xb9: {  	[spmem:s1] =	stream.indirect.scatter.add.f32 [tilespmem:s23], [sflag:$0x3], $0x10, s12, s22, $0xb8;
	[tilespmem:$0x1F400] =	vst v63  }
0xba: {  	_ =	swait.ge [sflag:s31], $0x2000  }
0xbb: {  	[sflag:s31] =	ssyncset.done $0x0  }
0xbc: {  	[sflag:s31] =	ssyncadd.s32 $0xFFFFE000  }
0xbd: {  	[tilespmem:s25], [sflag:$0x2] =	stream.indirect.gather [spmem:s3], $0x10, s19, s22, $0xb8;
	[tilespmem:$0x1F400] =	vst v63  }
0xbe: {  	_ =	swait.ge [sflag:s18], $0x2000  }
0xbf: {  	[sflag:s18] =	ssyncset.done $0x0  }
0xc0: {  	[sflag:s18] =	ssyncadd.s32 $0xFFFFE000  }
0xc1: {  	[spmem:s1] =	stream.indirect.scatter.add.f32 [tilespmem:s25], [sflag:$0x4], $0x10, s15, s22, $0xb8;
	[tilespmem:$0x1F400] =	vst v63  }
0xc2: {  	_ =	swait.ge [sflag:s28], $0x2000  }
0xc3: {  	[sflag:s28] =	ssyncset.done $0x0  }
0xc4: {  	[sflag:s28] =	ssyncadd.s32 $0xFFFFE000  }
0xc5: {  	[tilespmem:s23], [sflag:$0x1] =	stream.indirect.gather [spmem:s3], $0x10, s24, s22, $0xb8;
	[tilespmem:$0x1F400] =	vst v63  }
0xc6: {  	_ =	swait.ge [sflag:s17], $0x2000  }
0xc7: {  	[sflag:s17] =	ssyncset.done $0x0  }
0xc8: {  	[sflag:s17] =	ssyncadd.s32 $0xFFFFE000  }
0xc9: {  	[spmem:s1] =	stream.indirect.scatter.add.f32 [tilespmem:s23], [sflag:$0x3], $0x10, s26, s22, $0xb8;
	[tilespmem:$0x1F400] =	vst v63  }
0xca: {  	_ =	swait.ge [sflag:s31], $0x2000  }
0xcb: {  	[sflag:s31] =	ssyncset.done $0x0  }
0xcc: {  	[sflag:s31] =	ssyncadd.s32 $0xFFFFE000  }
0xcd: {  	[tilespmem:s25], [sflag:$0x2] =	stream.indirect.gather [spmem:s3], $0x10, s29, s22, $0xb8;
	[tilespmem:$0x1F400] =	vst v63  }
0xce: {  	_ =	swait.ge [sflag:s18], $0x2000  }
0xcf: {  	[sflag:s18] =	ssyncset.done $0x0  }
0xd0: {  	s8 =	simm.s32 $0x1AA00;
	[sflag:s18] =	ssyncadd.s32 $0xFFFFE000  }
0xd1: {  	[spmem:s1] =	stream.indirect.scatter.add.f32 [tilespmem:s25], [sflag:$0x4], $0x10, s8, s22, $0xb8;
	[tilespmem:$0x1F400] =	vst v63  }
0xd2: {  	_ =	swait.ge [sflag:s28], $0x2000  }
0xd3: {  	[sflag:s28] =	ssyncset.done $0x0  }
0xd4: {  	s8 =	simm.s32 $0x19800;
	[sflag:s28] =	ssyncadd.s32 $0xFFFFE000  }
0xd5: {  	[tilespmem:s23], [sflag:$0x1] =	stream.indirect.gather [spmem:s3], $0x10, s8, s22, $0xb8;
	[tilespmem:$0x1F400] =	vst v63  }
0xd6: {  	_ =	swait.ge [sflag:s17], $0x2000  }
0xd7: {  	[sflag:s17] =	ssyncset.done $0x0  }
0xd8: {  	s8 =	simm.s32 $0x1AC00;
	[sflag:s17] =	ssyncadd.s32 $0xFFFFE000  }
0xd9: {  	[spmem:s1] =	stream.indirect.scatter.add.f32 [tilespmem:s23], [sflag:$0x3], $0x10, s8, s22, $0xb8;
	[tilespmem:$0x1F400] =	vst v63  }
0xda: {  	_ =	swait.ge [sflag:s31], $0x2000  }
.Ltmp2:
0xdb: {  	[sflag:s31] =	ssyncset.done $0x0;
	(pc) =	sbr.rel @p0 .LBB2_6-.Ltmp2, $4  }
0xdc: {  	s8 =	simm.s32 $0x19A00;
	[sflag:s31] =	ssyncadd.s32 $0xFFFFE000  }
0xdd: {  	[tilespmem:s25], [sflag:$0x2] =	stream.indirect.gather [spmem:s3], $0x10, s8, s22, $0xb8;
	[tilespmem:$0x1F400] =	vst v63  }
0xde: {  	_ =	swait.ge [sflag:s18], $0x2000  }
0xdf: {  	p1 =	seq.s32 s30, $0x0;
	[sflag:s18] =	ssyncset.done $0x0  }
0xe0: {  	s0 =	simm.s32 @!p1 $0x3;
	[sflag:s18] =	ssyncadd.s32 $0xFFFFE000  }
0xe1: {  	[spmem:s1] =	stream.indirect.scatter.add.f32 [tilespmem:s25], [sflag:$0x4], $0x10, s7, s22, $0xb8;
	[tilespmem:$0x1F400] =	vst v63  }
0xe2: {  	_ =	swait.ge @!p1 [sflag:s0], $0x2000  }
0xe3: {  	[sflag:s0] =	ssyncset.done @!p1 $0x0  }
0xe4: {  	[sflag:s0] =	ssyncadd.s32 @!p1 $0xFFFFE000;
	s0 =	simm.s32 @!p1 $0x4  }
0xe5: {  	_ =	swait.ge @!p1 [sflag:s0], $0x2000  }
0xe6: {  	[sflag:s0] =	ssyncset.done @!p1 $0x0  }
0xe7: {  	s8 =	sadd.s32 s30, s14;
	[sflag:s0] =	ssyncadd.s32 @!p1 $0xFFFFE000  }
0xe8: {  	[tilespmem:s20], [sflag:$0x5] =	stream.linear.gather [hbm4b:s8+s4], $0x1400, $0x38;
	[tilespmem:$0x1F400] =	vst v63  }
0xe9: {  	_ =	swait.ge [sflag:s16], $0x1400  }
0xea: {  	[sflag:s16] =	ssyncset.done $0x0  }
0xeb: {  	s30 =	sadd.s32 s30, s13;
	[sflag:s16] =	ssyncadd.s32 $0xFFFFEC00  }
0xec: {  	[tilespmem:s21], [sflag:$0x5] =	stream.linear.gather [hbm4b:s30+s4], $0x1400, $0x38;
	[tilespmem:$0x1F400] =	vst v63  }
0xed: {  	_ =	swait.ge [sflag:s16], $0x1400  }
0xee: {  	[sflag:s16] =	ssyncset.done $0x0  }
0xef: {  	[sflag:s16] =	ssyncadd.s32 $0xFFFFEC00  }
0xf0: {  	[tilespmem:s23], [sflag:$0x1] =	stream.indirect.gather [spmem:s3], $0x10, s20, s22, $0xb8;
	[tilespmem:$0x1F400] =	vst v63  }
0xf1: {  	_ =	swait.ge [sflag:s17], $0x2000  }
0xf2: {  	[sflag:s17] =	ssyncset.done $0x0  }
0xf3: {  	[sflag:s17] =	ssyncadd.s32 $0xFFFFE000  }
0xf4: {  	[spmem:s1] =	stream.indirect.scatter.add.f32 [tilespmem:s23], [sflag:$0x3], $0x10, s21, s22, $0xb8;
	[tilespmem:$0x1F400] =	vst v63  }
0xf5: {  	_ = 	snop  }
0xf6: {  	[tilespmem:s25], [sflag:$0x2] =	stream.indirect.gather [spmem:s3], $0x10, s6, s22, $0xb8;
	[tilespmem:$0x1F400] =	vst v63  }
0xf7: {  	_ =	swait.ge [sflag:s18], $0x2000  }
0xf8: {  	[sflag:s18] =	ssyncset.done $0x0  }
0xf9: {  	[sflag:s18] =	ssyncadd.s32 $0xFFFFE000  }
0xfa: {  	[spmem:s1] =	stream.indirect.scatter.add.f32 [tilespmem:s25], [sflag:$0x4], $0x10, s2, s22, $0xb8;
	[tilespmem:$0x1F400] =	vst v63  }
0xfb: {  	_ =	swait.ge [sflag:s28], $0x2000  }
0xfc: {  	[sflag:s28] =	ssyncset.done $0x0  }
0xfd: {  	s2 =	simm.s32 $0x18C00;
	[sflag:s28] =	ssyncadd.s32 $0xFFFFE000  }
0xfe: {  	[tilespmem:s23], [sflag:$0x1] =	stream.indirect.gather [spmem:s3], $0x10, s2, s22, $0xb8;
	[tilespmem:$0x1F400] =	vst v63  }
0xff: {  	_ =	swait.ge [sflag:s17], $0x2000  }
0x100: {  	[sflag:s17] =	ssyncset.done $0x0  }
0x101: {  	s6 =	simm.s32 $0x1A000;
	[sflag:s17] =	ssyncadd.s32 $0xFFFFE000  }
0x102: {  	[spmem:s1] =	stream.indirect.scatter.add.f32 [tilespmem:s23], [sflag:$0x3], $0x10, s6, s22, $0xb8;
	[tilespmem:$0x1F400] =	vst v63  }
0x103: {  	_ =	swait.ge [sflag:s31], $0x2000  }
0x104: {  	[sflag:s31] =	ssyncset.done $0x0  }
0x105: {  	[sflag:s31] =	ssyncadd.s32 $0xFFFFE000  }
0x106: {  	[tilespmem:s25], [sflag:$0x2] =	stream.indirect.gather [spmem:s3], $0x10, s9, s22, $0xb8;
	[tilespmem:$0x1F400] =	vst v63  }
0x107: {  	_ =	swait.ge [sflag:s18], $0x2000  }
0x108: {  	[sflag:s18] =	ssyncset.done $0x0  }
0x109: {  	[sflag:s18] =	ssyncadd.s32 $0xFFFFE000  }
0x10a: {  	[spmem:s1] =	stream.indirect.scatter.add.f32 [tilespmem:s25], [sflag:$0x4], $0x10, s10, s22, $0xb8;
	[tilespmem:$0x1F400] =	vst v63  }
0x10b: {  	_ =	swait.ge [sflag:s28], $0x2000  }
0x10c: {  	[sflag:s28] =	ssyncset.done $0x0  }
0x10d: {  	[sflag:s28] =	ssyncadd.s32 $0xFFFFE000  }
0x10e: {  	[tilespmem:s23], [sflag:$0x1] =	stream.indirect.gather [spmem:s3], $0x10, s11, s22, $0xb8;
	[tilespmem:$0x1F400] =	vst v63  }
0x10f: {  	_ =	swait.ge [sflag:s17], $0x2000  }
0x110: {  	[sflag:s17] =	ssyncset.done $0x0  }
0x111: {  	[sflag:s17] =	ssyncadd.s32 $0xFFFFE000  }
0x112: {  	[spmem:s1] =	stream.indirect.scatter.add.f32 [tilespmem:s23], [sflag:$0x3], $0x10, s12, s22, $0xb8;
	[tilespmem:$0x1F400] =	vst v63  }
0x113: {  	_ =	swait.ge [sflag:s31], $0x2000  }
0x114: {  	[sflag:s31] =	ssyncset.done $0x0  }
0x115: {  	[sflag:s31] =	ssyncadd.s32 $0xFFFFE000  }
0x116: {  	[tilespmem:s25], [sflag:$0x2] =	stream.indirect.gather [spmem:s3], $0x10, s19, s22, $0xb8;
	[tilespmem:$0x1F400] =	vst v63  }
0x117: {  	_ =	swait.ge [sflag:s18], $0x2000  }
0x118: {  	[sflag:s18] =	ssyncset.done $0x0  }
0x119: {  	[sflag:s18] =	ssyncadd.s32 $0xFFFFE000  }
0x11a: {  	[spmem:s1] =	stream.indirect.scatter.add.f32 [tilespmem:s25], [sflag:$0x4], $0x10, s15, s22, $0xb8;
	[tilespmem:$0x1F400] =	vst v63  }
0x11b: {  	_ =	swait.ge [sflag:s28], $0x2000  }
0x11c: {  	[sflag:s28] =	ssyncset.done $0x0  }
0x11d: {  	[sflag:s28] =	ssyncadd.s32 $0xFFFFE000  }
0x11e: {  	[tilespmem:s23], [sflag:$0x1] =	stream.indirect.gather [spmem:s3], $0x10, s24, s22, $0xb8;
	[tilespmem:$0x1F400] =	vst v63  }
0x11f: {  	_ =	swait.ge [sflag:s17], $0x2000  }
0x120: {  	[sflag:s17] =	ssyncset.done $0x0  }
0x121: {  	[sflag:s17] =	ssyncadd.s32 $0xFFFFE000  }
0x122: {  	[spmem:s1] =	stream.indirect.scatter.add.f32 [tilespmem:s23], [sflag:$0x3], $0x10, s26, s22, $0xb8;
	[tilespmem:$0x1F400] =	vst v63  }
0x123: {  	_ =	swait.ge [sflag:s31], $0x2000  }
0x124: {  	[sflag:s31] =	ssyncset.done $0x0  }
0x125: {  	[sflag:s31] =	ssyncadd.s32 $0xFFFFE000  }
0x126: {  	[tilespmem:s25], [sflag:$0x2] =	stream.indirect.gather [spmem:s3], $0x10, s29, s22, $0xb8;
	[tilespmem:$0x1F400] =	vst v63  }
0x127: {  	_ =	swait.ge [sflag:s18], $0x2000  }
0x128: {  	[sflag:s18] =	ssyncset.done $0x0  }
0x129: {  	s8 =	simm.s32 $0x1AA00;
	[sflag:s18] =	ssyncadd.s32 $0xFFFFE000  }
0x12a: {  	[spmem:s1] =	stream.indirect.scatter.add.f32 [tilespmem:s25], [sflag:$0x4], $0x10, s8, s22, $0xb8;
	[tilespmem:$0x1F400] =	vst v63  }
0x12b: {  	_ =	swait.ge [sflag:s28], $0x2000  }
0x12c: {  	[sflag:s28] =	ssyncset.done $0x0  }
0x12d: {  	s9 =	simm.s32 $0x19800;
	[sflag:s28] =	ssyncadd.s32 $0xFFFFE000  }
0x12e: {  	[tilespmem:s23], [sflag:$0x1] =	stream.indirect.gather [spmem:s3], $0x10, s9, s22, $0xb8;
	[tilespmem:$0x1F400] =	vst v63  }
0x12f: {  	_ =	swait.ge [sflag:s17], $0x2000  }
0x130: {  	[sflag:s17] =	ssyncset.done $0x0  }
0x131: {  	s10 =	simm.s32 $0x1AC00;
	[sflag:s17] =	ssyncadd.s32 $0xFFFFE000  }
0x132: {  	[spmem:s1] =	stream.indirect.scatter.add.f32 [tilespmem:s23], [sflag:$0x3], $0x10, s10, s22, $0xb8;
	[tilespmem:$0x1F400] =	vst v63  }
0x133: {  	_ =	swait.ge [sflag:s31], $0x2000  }
0x134: {  	[sflag:s31] =	ssyncset.done $0x0  }
0x135: {  	s11 =	simm.s32 $0x19A00;
	[sflag:s31] =	ssyncadd.s32 $0xFFFFE000  }
0x136: {  	[tilespmem:s25], [sflag:$0x2] =	stream.indirect.gather [spmem:s3], $0x10, s11, s22, $0xb8;
	[tilespmem:$0x1F400] =	vst v63  }
0x137: {  	_ =	swait.ge [sflag:s18], $0x2000  }
0x138: {  	[sflag:s18] =	ssyncset.done $0x0  }
0x139: {  	[sflag:s18] =	ssyncadd.s32 $0xFFFFE000  }
0x13a: {  	[spmem:s1] =	stream.indirect.scatter.add.f32 [tilespmem:s25], [sflag:$0x4], $0x10, s7, s22, $0xb8;
	[tilespmem:$0x1F400] =	vst v63  }
0x13b: {  	_ =	swait.ge [sflag:s28], $0x2000  }
0x13c: {  	[sflag:s28] =	ssyncset.done $0x0  }
0x13d: {  	[sflag:s28] =	ssyncadd.s32 $0xFFFFE000  }
0x13e: {  	_ =	swait.ge [sflag:s31], $0x2000  }
0x13f: {  	[sflag:s31] =	ssyncset.done $0x0  }
0x140: {  	[sflag:s31] =	ssyncadd.s32 $0xFFFFE000  }
0x141: {  	[bflag:$0x0] =	sbarrier.arrive $0xFFFF  }
0x142: {  	s12 =	rddreg [dreg:$0x7]  }
0x143: {  	s0 =	simm.s32 $0x1000;
	s30 =	sadd.s32 $0x0, s5;
	s19 =	rddreg [dreg:$0x6]  }
0x144: {  	s6 =	simm.s32 $0x1F000;
	s26 =	rddreg [dreg:$0xc];
	s15 =	sshrl.u32 s12, $0x3  }
0x145: {  	s24 =	simm.s32 $0x8;
	s29 =	simm.s32 $0x19600;
	[dreg:$0xe] =	wrdreg s15  }
0x146: {  	[hbm:s19@s24], [sflag:s26] =	dma.strided [spmem:s15@s18], $0x1870, s17, $0x2   }
0x147: {  	s8 =	simm.s32 $0x1A000;
	s9 =	simm.s32 $0x18E00;
	_ =	swait.ge [sflag:s16], $0x1870  }
0x148: {  	s10 =	simm.s32 $0x1A200;
	s11 =	simm.s32 $0x19000;
	[sflag:s16] =	ssyncset.done $0x0  }
0x149: {  	s7 =	simm.s32 $0x18C00;
	s12 =	simm.s32 $0x1A400;
	[sflag:s16] =	ssyncadd.s32 $0xFFFFE790  }
0x14a: {  	s19 =	simm.s32 $0x19200;
	s15 =	simm.s32 $0x1A600;
	[bflag:$0x0] =	sbarrier.arrive $0xFFFF  }
0x14b: {  	[spmem:s30] =	stream.linear.scatter [tilespmem:s6], [sflag:$0x5], $0x400, $0x38;
	[tilespmem:$0x1F400] =	vst v63  }
0x14c: {  	s24 =	simm.s32 $0x19400;
	s26 =	simm.s32 $0x1A800;
	_ =	swait.ge [sflag:s16], $0x400  }
.LBB2_8:
0x14d: {  	s2 =	sshra.s32 s0, $0x2;
	[sflag:s16] =	ssyncset.done $0x0;
	p0 =	sne.s32 s0, $0x30000  }
.Ltmp3:
0x14e: {  	s2 =	sadd.s32 s2, s5;
	[sflag:s16] =	ssyncadd.s32 $0xFFFFFC00;
	(pc) =	sbr.rel @p0 .LBB2_8-.Ltmp3, $3  }
0x14f: {  	[spmem:s2] =	stream.linear.scatter [tilespmem:s6], [sflag:$0x5], $0x400, $0x38;
	[tilespmem:$0x1F400] =	vst v63  }
0x150: {  	s0 =	sadd.s32 $0x1000, s0;
	_ =	sdelay $0x1  }
0x151: {  	_ =	swait.ge [sflag:s16], $0x400  }
0x152: {  	s0 =	rddreg [dreg:$0x8]  }
0x153: {  	[sflag:s16] =	ssyncset.done $0x0;
	s6 =	rddreg [dreg:$0xc]  }
0x154: {  	s2 =	simm.s32 $0x8;
	s30 =	rddreg [dreg:$0xd];
	[sflag:s16] =	ssyncadd.s32 $0xFFFFFC00  }
0x155: {  	[spmem:s30@s18], [sflag:s6] =	dma.strided [hbm:s0@s2], $0x1880, s17, $0x2   }
0x156: {  	_ =	swait.ge [sflag:s16], $0x1880  }
0x157: {  	[sflag:s16] =	ssyncset.done $0x0  }
0x158: {  	p0 =	por $0x1, $0x1;
	[sflag:s16] =	ssyncadd.s32 $0xFFFFE780  }
0x159: {  	s0 =	simm.s32 @!p0 $0x3;
	[bflag:$0x0] =	sbarrier.arrive $0xFFFF  }
0x15a: {  	_ =	swait.ge @!p0 [sflag:s0], $0x2000  }
0x15b: {  	[sflag:s0] =	ssyncset.done @!p0 $0x0  }
0x15c: {  	[sflag:s0] =	ssyncadd.s32 @!p0 $0xFFFFE000;
	s0 =	simm.s32 @!p0 $0x4  }
0x15d: {  	_ =	swait.ge @!p0 [sflag:s0], $0x2000  }
0x15e: {  	[sflag:s0] =	ssyncset.done @!p0 $0x0  }
0x15f: {  	s2 =	sadd.s32 $0x0, s14;
	[sflag:s0] =	ssyncadd.s32 @!p0 $0xFFFFE000  }
0x160: {  	[tilespmem:s20], [sflag:$0x5] =	stream.linear.gather [hbm4b:s2+s4], $0x1400, $0x38;
	[tilespmem:$0x1F400] =	vst v63  }
0x161: {  	_ =	swait.ge [sflag:s16], $0x1400  }
0x162: {  	[sflag:s16] =	ssyncset.done $0x0  }
0x163: {  	s6 =	sadd.s32 $0x0, s13;
	[sflag:s16] =	ssyncadd.s32 $0xFFFFEC00  }
0x164: {  	[tilespmem:s21], [sflag:$0x5] =	stream.linear.gather [hbm4b:s6+s4], $0x1400, $0x38;
	[tilespmem:$0x1F400] =	vst v63  }
0x165: {  	_ =	swait.ge [sflag:s16], $0x1400  }
0x166: {  	[sflag:s16] =	ssyncset.done $0x0  }
0x167: {  	[sflag:s16] =	ssyncadd.s32 $0xFFFFEC00  }
0x168: {  	[tilespmem:s23], [sflag:$0x1] =	stream.indirect.gather [spmem:s3], $0x10, s20, s22, $0xb8;
	[tilespmem:$0x1F400] =	vst v63  }
0x169: {  	_ =	swait.ge [sflag:s17], $0x2000  }
0x16a: {  	[sflag:s17] =	ssyncset.done $0x0  }
0x16b: {  	[sflag:s17] =	ssyncadd.s32 $0xFFFFE000  }
0x16c: {  	[spmem:s1] =	stream.indirect.scatter.add.f32 [tilespmem:s23], [sflag:$0x3], $0x10, s21, s22, $0xb8;
	[tilespmem:$0x1F400] =	vst v63  }
0x16d: {  	s2 =	simm.s32 $0x18A00  }
0x16e: {  	[tilespmem:s25], [sflag:$0x2] =	stream.indirect.gather [spmem:s3], $0x10, s2, s22, $0xb8;
	[tilespmem:$0x1F400] =	vst v63  }
0x16f: {  	_ =	swait.ge [sflag:s18], $0x2000  }
0x170: {  	[sflag:s18] =	ssyncset.done $0x0  }
0x171: {  	s6 =	simm.s32 $0x19E00;
	[sflag:s18] =	ssyncadd.s32 $0xFFFFE000  }
0x172: {  	[spmem:s1] =	stream.indirect.scatter.add.f32 [tilespmem:s25], [sflag:$0x4], $0x10, s6, s22, $0xb8;
	[tilespmem:$0x1F400] =	vst v63  }
0x173: {  	_ =	swait.ge [sflag:s28], $0x2000  }
0x174: {  	[sflag:s28] =	ssyncset.done $0x0  }
0x175: {  	[sflag:s28] =	ssyncadd.s32 $0xFFFFE000  }
0x176: {  	[tilespmem:s23], [sflag:$0x1] =	stream.indirect.gather [spmem:s3], $0x10, s7, s22, $0xb8;
	[tilespmem:$0x1F400] =	vst v63  }
0x177: {  	_ =	swait.ge [sflag:s17], $0x2000  }
0x178: {  	[sflag:s17] =	ssyncset.done $0x0  }
0x179: {  	[sflag:s17] =	ssyncadd.s32 $0xFFFFE000  }
0x17a: {  	[spmem:s1] =	stream.indirect.scatter.add.f32 [tilespmem:s23], [sflag:$0x3], $0x10, s8, s22, $0xb8;
	[tilespmem:$0x1F400] =	vst v63  }
0x17b: {  	_ =	swait.ge [sflag:s31], $0x2000  }
0x17c: {  	[sflag:s31] =	ssyncset.done $0x0  }
0x17d: {  	[sflag:s31] =	ssyncadd.s32 $0xFFFFE000  }
0x17e: {  	[tilespmem:s25], [sflag:$0x2] =	stream.indirect.gather [spmem:s3], $0x10, s9, s22, $0xb8;
	[tilespmem:$0x1F400] =	vst v63  }
0x17f: {  	_ =	swait.ge [sflag:s18], $0x2000  }
0x180: {  	[sflag:s18] =	ssyncset.done $0x0  }
0x181: {  	[sflag:s18] =	ssyncadd.s32 $0xFFFFE000  }
0x182: {  	[spmem:s1] =	stream.indirect.scatter.add.f32 [tilespmem:s25], [sflag:$0x4], $0x10, s10, s22, $0xb8;
	[tilespmem:$0x1F400] =	vst v63  }
0x183: {  	_ =	swait.ge [sflag:s28], $0x2000  }
0x184: {  	[sflag:s28] =	ssyncset.done $0x0  }
0x185: {  	[sflag:s28] =	ssyncadd.s32 $0xFFFFE000  }
0x186: {  	[tilespmem:s23], [sflag:$0x1] =	stream.indirect.gather [spmem:s3], $0x10, s11, s22, $0xb8;
	[tilespmem:$0x1F400] =	vst v63  }
0x187: {  	_ =	swait.ge [sflag:s17], $0x2000  }
0x188: {  	[sflag:s17] =	ssyncset.done $0x0  }
0x189: {  	[sflag:s17] =	ssyncadd.s32 $0xFFFFE000  }
0x18a: {  	[spmem:s1] =	stream.indirect.scatter.add.f32 [tilespmem:s23], [sflag:$0x3], $0x10, s12, s22, $0xb8;
	[tilespmem:$0x1F400] =	vst v63  }
0x18b: {  	_ =	swait.ge [sflag:s31], $0x2000  }
0x18c: {  	[sflag:s31] =	ssyncset.done $0x0  }
0x18d: {  	[sflag:s31] =	ssyncadd.s32 $0xFFFFE000  }
0x18e: {  	[tilespmem:s25], [sflag:$0x2] =	stream.indirect.gather [spmem:s3], $0x10, s19, s22, $0xb8;
	[tilespmem:$0x1F400] =	vst v63  }
0x18f: {  	_ =	swait.ge [sflag:s18], $0x2000  }
0x190: {  	[sflag:s18] =	ssyncset.done $0x0  }
0x191: {  	[sflag:s18] =	ssyncadd.s32 $0xFFFFE000  }
0x192: {  	[spmem:s1] =	stream.indirect.scatter.add.f32 [tilespmem:s25], [sflag:$0x4], $0x10, s15, s22, $0xb8;
	[tilespmem:$0x1F400] =	vst v63  }
0x193: {  	_ =	swait.ge [sflag:s28], $0x2000  }
0x194: {  	[sflag:s28] =	ssyncset.done $0x0  }
0x195: {  	[sflag:s28] =	ssyncadd.s32 $0xFFFFE000  }
0x196: {  	[tilespmem:s23], [sflag:$0x1] =	stream.indirect.gather [spmem:s3], $0x10, s24, s22, $0xb8;
	[tilespmem:$0x1F400] =	vst v63  }
0x197: {  	_ =	swait.ge [sflag:s17], $0x2000  }
0x198: {  	[sflag:s17] =	ssyncset.done $0x0  }
0x199: {  	[sflag:s17] =	ssyncadd.s32 $0xFFFFE000  }
0x19a: {  	[spmem:s1] =	stream.indirect.scatter.add.f32 [tilespmem:s23], [sflag:$0x3], $0x10, s26, s22, $0xb8;
	[tilespmem:$0x1F400] =	vst v63  }
0x19b: {  	_ =	swait.ge [sflag:s31], $0x2000  }
0x19c: {  	[sflag:s31] =	ssyncset.done $0x0  }
0x19d: {  	[sflag:s31] =	ssyncadd.s32 $0xFFFFE000  }
0x19e: {  	[tilespmem:s25], [sflag:$0x2] =	stream.indirect.gather [spmem:s3], $0x10, s29, s22, $0xb8;
	[tilespmem:$0x1F400] =	vst v63  }
0x19f: {  	_ =	swait.ge [sflag:s18], $0x2000  }
0x1a0: {  	[sflag:s18] =	ssyncset.done $0x0  }
0x1a1: {  	s19 =	simm.s32 $0x1AA00;
	[sflag:s18] =	ssyncadd.s32 $0xFFFFE000  }
0x1a2: {  	[spmem:s1] =	stream.indirect.scatter.add.f32 [tilespmem:s25], [sflag:$0x4], $0x10, s19, s22, $0xb8;
	[tilespmem:$0x1F400] =	vst v63  }
0x1a3: {  	_ =	swait.ge [sflag:s28], $0x2000  }
0x1a4: {  	[sflag:s28] =	ssyncset.done $0x0  }
0x1a5: {  	s24 =	simm.s32 $0x19800;
	[sflag:s28] =	ssyncadd.s32 $0xFFFFE000  }
0x1a6: {  	[tilespmem:s23], [sflag:$0x1] =	stream.indirect.gather [spmem:s3], $0x10, s24, s22, $0xb8;
	[tilespmem:$0x1F400] =	vst v63  }
0x1a7: {  	p1 =	por $0x0, $0x0;
	_ =	swait.ge [sflag:s17], $0x2000  }
0x1a8: {  	s30 =	simm.s32 $0x280;
	s0 =	simm.s32 $0x500;
	[sflag:s17] =	ssyncset.done $0x0  }
0x1a9: {  	s7 =	simm.s32 $0x18C00;
	s26 =	simm.s32 $0x1AC00;
	[sflag:s17] =	ssyncadd.s32 $0xFFFFE000  }
0x1aa: {  	[spmem:s1] =	stream.indirect.scatter.add.f32 [tilespmem:s23], [sflag:$0x3], $0x10, s26, s22, $0xb8;
	[tilespmem:$0x1F400] =	vst v63  }
0x1ab: {  	s8 =	simm.s32 $0x1A000;
	s9 =	simm.s32 $0x18E00;
	_ =	swait.ge [sflag:s31], $0x2000  }
0x1ac: {  	s10 =	simm.s32 $0x1A200;
	s11 =	simm.s32 $0x19000;
	[sflag:s31] =	ssyncset.done $0x0  }
0x1ad: {  	s12 =	simm.s32 $0x1A400;
	s29 =	simm.s32 $0x19A00;
	[sflag:s31] =	ssyncadd.s32 $0xFFFFE000  }
0x1ae: {  	[tilespmem:s25], [sflag:$0x2] =	stream.indirect.gather [spmem:s3], $0x10, s29, s22, $0xb8;
	[tilespmem:$0x1F400] =	vst v63  }
0x1af: {  	s15 =	simm.s32 $0x1A600;
	s19 =	simm.s32 $0x19200;
	_ =	swait.ge [sflag:s18], $0x2000  }
0x1b0: {  	s24 =	simm.s32 $0x19400;
	s26 =	simm.s32 $0x1AE00;
	[sflag:s18] =	ssyncset.done $0x0  }
.LBB2_10:
0x1b1: {  	s2 =	simm.s32 @!p1 $0x3  }
0x1b2: {  	[sflag:s18] =	ssyncadd.s32 $0xFFFFE000;
	s6 =	smov.u32 s0;
	s0 =	sadd.s32 $0x280, s0  }
0x1b3: {  	[spmem:s1] =	stream.indirect.scatter.add.f32 [tilespmem:s25], [sflag:$0x4], $0x10, s26, s22, $0xb8;
	[tilespmem:$0x1F400] =	vst v63  }
0x1b4: {  	p0 =	sne.s32 s0, $0x1900;
	_ =	swait.ge @!p1 [sflag:s2], $0x2000  }
0x1b5: {  	[sflag:s2] =	ssyncset.done @!p1 $0x0  }
0x1b6: {  	[sflag:s2] =	ssyncadd.s32 @!p1 $0xFFFFE000;
	s2 =	simm.s32 @!p1 $0x4  }
0x1b7: {  	_ =	swait.ge @!p1 [sflag:s2], $0x2000  }
0x1b8: {  	[sflag:s2] =	ssyncset.done @!p1 $0x0  }
0x1b9: {  	[sflag:s2] =	ssyncadd.s32 @!p1 $0xFFFFE000;
	s2 =	sadd.s32 s30, s14  }
0x1ba: {  	[tilespmem:s20], [sflag:$0x5] =	stream.linear.gather [hbm4b:s2+s4], $0x1400, $0x38;
	[tilespmem:$0x1F400] =	vst v63  }
0x1bb: {  	_ =	swait.ge [sflag:s16], $0x1400  }
0x1bc: {  	s2 =	sadd.s32 s30, s13;
	[sflag:s16] =	ssyncset.done $0x0  }
0x1bd: {  	s30 =	smov.u32 s6;
	s6 =	simm.s32 $0x18A00;
	[sflag:s16] =	ssyncadd.s32 $0xFFFFEC00  }
0x1be: {  	[tilespmem:s21], [sflag:$0x5] =	stream.linear.gather [hbm4b:s2+s4], $0x1400, $0x38;
	[tilespmem:$0x1F400] =	vst v63  }
0x1bf: {  	s2 =	simm.s32 $0x19E00  }
0x1c0: {  	_ =	swait.ge [sflag:s16], $0x1400  }
0x1c1: {  	[sflag:s16] =	ssyncset.done $0x0  }
0x1c2: {  	[sflag:s16] =	ssyncadd.s32 $0xFFFFEC00  }
0x1c3: {  	[tilespmem:s23], [sflag:$0x1] =	stream.indirect.gather [spmem:s3], $0x10, s20, s22, $0xb8;
	[tilespmem:$0x1F400] =	vst v63  }
0x1c4: {  	_ =	swait.ge [sflag:s17], $0x2000  }
0x1c5: {  	[sflag:s17] =	ssyncset.done $0x0  }
0x1c6: {  	[sflag:s17] =	ssyncadd.s32 $0xFFFFE000  }
0x1c7: {  	[spmem:s1] =	stream.indirect.scatter.add.f32 [tilespmem:s23], [sflag:$0x3], $0x10, s21, s22, $0xb8;
	[tilespmem:$0x1F400] =	vst v63  }
0x1c8: {  	_ = 	snop  }
0x1c9: {  	[tilespmem:s25], [sflag:$0x2] =	stream.indirect.gather [spmem:s3], $0x10, s6, s22, $0xb8;
	[tilespmem:$0x1F400] =	vst v63  }
0x1ca: {  	_ =	swait.ge [sflag:s18], $0x2000  }
0x1cb: {  	[sflag:s18] =	ssyncset.done $0x0  }
0x1cc: {  	[sflag:s18] =	ssyncadd.s32 $0xFFFFE000  }
0x1cd: {  	[spmem:s1] =	stream.indirect.scatter.add.f32 [tilespmem:s25], [sflag:$0x4], $0x10, s2, s22, $0xb8;
	[tilespmem:$0x1F400] =	vst v63  }
0x1ce: {  	_ =	swait.ge [sflag:s28], $0x2000  }
0x1cf: {  	[sflag:s28] =	ssyncset.done $0x0  }
0x1d0: {  	[sflag:s28] =	ssyncadd.s32 $0xFFFFE000  }
0x1d1: {  	[tilespmem:s23], [sflag:$0x1] =	stream.indirect.gather [spmem:s3], $0x10, s7, s22, $0xb8;
	[tilespmem:$0x1F400] =	vst v63  }
0x1d2: {  	_ =	swait.ge [sflag:s17], $0x2000  }
0x1d3: {  	[sflag:s17] =	ssyncset.done $0x0  }
0x1d4: {  	[sflag:s17] =	ssyncadd.s32 $0xFFFFE000  }
0x1d5: {  	[spmem:s1] =	stream.indirect.scatter.add.f32 [tilespmem:s23], [sflag:$0x3], $0x10, s8, s22, $0xb8;
	[tilespmem:$0x1F400] =	vst v63  }
0x1d6: {  	_ =	swait.ge [sflag:s31], $0x2000  }
0x1d7: {  	[sflag:s31] =	ssyncset.done $0x0  }
0x1d8: {  	[sflag:s31] =	ssyncadd.s32 $0xFFFFE000  }
0x1d9: {  	[tilespmem:s25], [sflag:$0x2] =	stream.indirect.gather [spmem:s3], $0x10, s9, s22, $0xb8;
	[tilespmem:$0x1F400] =	vst v63  }
0x1da: {  	_ =	swait.ge [sflag:s18], $0x2000  }
0x1db: {  	[sflag:s18] =	ssyncset.done $0x0  }
0x1dc: {  	[sflag:s18] =	ssyncadd.s32 $0xFFFFE000  }
0x1dd: {  	[spmem:s1] =	stream.indirect.scatter.add.f32 [tilespmem:s25], [sflag:$0x4], $0x10, s10, s22, $0xb8;
	[tilespmem:$0x1F400] =	vst v63  }
0x1de: {  	_ =	swait.ge [sflag:s28], $0x2000  }
0x1df: {  	[sflag:s28] =	ssyncset.done $0x0  }
0x1e0: {  	[sflag:s28] =	ssyncadd.s32 $0xFFFFE000  }
0x1e1: {  	[tilespmem:s23], [sflag:$0x1] =	stream.indirect.gather [spmem:s3], $0x10, s11, s22, $0xb8;
	[tilespmem:$0x1F400] =	vst v63  }
0x1e2: {  	_ =	swait.ge [sflag:s17], $0x2000  }
0x1e3: {  	[sflag:s17] =	ssyncset.done $0x0  }
0x1e4: {  	[sflag:s17] =	ssyncadd.s32 $0xFFFFE000  }
0x1e5: {  	[spmem:s1] =	stream.indirect.scatter.add.f32 [tilespmem:s23], [sflag:$0x3], $0x10, s12, s22, $0xb8;
	[tilespmem:$0x1F400] =	vst v63  }
0x1e6: {  	_ =	swait.ge [sflag:s31], $0x2000  }
0x1e7: {  	[sflag:s31] =	ssyncset.done $0x0  }
0x1e8: {  	[sflag:s31] =	ssyncadd.s32 $0xFFFFE000  }
0x1e9: {  	[tilespmem:s25], [sflag:$0x2] =	stream.indirect.gather [spmem:s3], $0x10, s19, s22, $0xb8;
	[tilespmem:$0x1F400] =	vst v63  }
0x1ea: {  	_ =	swait.ge [sflag:s18], $0x2000  }
0x1eb: {  	[sflag:s18] =	ssyncset.done $0x0  }
0x1ec: {  	[sflag:s18] =	ssyncadd.s32 $0xFFFFE000  }
0x1ed: {  	[spmem:s1] =	stream.indirect.scatter.add.f32 [tilespmem:s25], [sflag:$0x4], $0x10, s15, s22, $0xb8;
	[tilespmem:$0x1F400] =	vst v63  }
0x1ee: {  	_ =	swait.ge [sflag:s28], $0x2000  }
0x1ef: {  	[sflag:s28] =	ssyncset.done $0x0  }
0x1f0: {  	[sflag:s28] =	ssyncadd.s32 $0xFFFFE000  }
0x1f1: {  	[tilespmem:s23], [sflag:$0x1] =	stream.indirect.gather [spmem:s3], $0x10, s24, s22, $0xb8;
	[tilespmem:$0x1F400] =	vst v63  }
0x1f2: {  	_ =	swait.ge [sflag:s17], $0x2000  }
0x1f3: {  	[sflag:s17] =	ssyncset.done $0x0  }
0x1f4: {  	s29 =	simm.s32 $0x1A800;
	[sflag:s17] =	ssyncadd.s32 $0xFFFFE000  }
0x1f5: {  	[spmem:s1] =	stream.indirect.scatter.add.f32 [tilespmem:s23], [sflag:$0x3], $0x10, s29, s22, $0xb8;
	[tilespmem:$0x1F400] =	vst v63  }
0x1f6: {  	_ =	swait.ge [sflag:s31], $0x2000  }
0x1f7: {  	[sflag:s31] =	ssyncset.done $0x0  }
0x1f8: {  	s29 =	simm.s32 $0x19600;
	[sflag:s31] =	ssyncadd.s32 $0xFFFFE000  }
0x1f9: {  	[tilespmem:s25], [sflag:$0x2] =	stream.indirect.gather [spmem:s3], $0x10, s29, s22, $0xb8;
	[tilespmem:$0x1F400] =	vst v63  }
0x1fa: {  	_ =	swait.ge [sflag:s18], $0x2000  }
0x1fb: {  	[sflag:s18] =	ssyncset.done $0x0  }
0x1fc: {  	s29 =	simm.s32 $0x1AA00;
	[sflag:s18] =	ssyncadd.s32 $0xFFFFE000  }
0x1fd: {  	[spmem:s1] =	stream.indirect.scatter.add.f32 [tilespmem:s25], [sflag:$0x4], $0x10, s29, s22, $0xb8;
	[tilespmem:$0x1F400] =	vst v63  }
0x1fe: {  	_ =	swait.ge [sflag:s28], $0x2000  }
0x1ff: {  	[sflag:s28] =	ssyncset.done $0x0  }
0x200: {  	s29 =	simm.s32 $0x19800;
	[sflag:s28] =	ssyncadd.s32 $0xFFFFE000  }
0x201: {  	[tilespmem:s23], [sflag:$0x1] =	stream.indirect.gather [spmem:s3], $0x10, s29, s22, $0xb8;
	[tilespmem:$0x1F400] =	vst v63  }
0x202: {  	_ =	swait.ge [sflag:s17], $0x2000  }
0x203: {  	[sflag:s17] =	ssyncset.done $0x0  }
0x204: {  	s29 =	simm.s32 $0x1AC00;
	[sflag:s17] =	ssyncadd.s32 $0xFFFFE000  }
0x205: {  	[spmem:s1] =	stream.indirect.scatter.add.f32 [tilespmem:s23], [sflag:$0x3], $0x10, s29, s22, $0xb8;
	[tilespmem:$0x1F400] =	vst v63  }
0x206: {  	_ =	swait.ge [sflag:s31], $0x2000  }
.Ltmp4:
0x207: {  	[sflag:s31] =	ssyncset.done $0x0;
	(pc) =	sbr.rel @p0 .LBB2_10-.Ltmp4, $4  }
0x208: {  	s29 =	simm.s32 $0x19A00;
	[sflag:s31] =	ssyncadd.s32 $0xFFFFE000  }
0x209: {  	[tilespmem:s25], [sflag:$0x2] =	stream.indirect.gather [spmem:s3], $0x10, s29, s22, $0xb8;
	[tilespmem:$0x1F400] =	vst v63  }
0x20a: {  	_ =	swait.ge [sflag:s18], $0x2000  }
0x20b: {  	p1 =	seq.s32 s30, $0x0;
	[sflag:s18] =	ssyncset.done $0x0  }
0x20c: {  	s0 =	simm.s32 @!p1 $0x3;
	[sflag:s18] =	ssyncadd.s32 $0xFFFFE000;
	s26 =	simm.s32 $0x1AE00  }
0x20d: {  	[spmem:s1] =	stream.indirect.scatter.add.f32 [tilespmem:s25], [sflag:$0x4], $0x10, s26, s22, $0xb8;
	[tilespmem:$0x1F400] =	vst v63  }
0x20e: {  	_ =	swait.ge @!p1 [sflag:s0], $0x2000  }
0x20f: {  	[sflag:s0] =	ssyncset.done @!p1 $0x0  }
0x210: {  	[sflag:s0] =	ssyncadd.s32 @!p1 $0xFFFFE000;
	s0 =	simm.s32 @!p1 $0x4  }
0x211: {  	_ =	swait.ge @!p1 [sflag:s0], $0x2000  }
0x212: {  	[sflag:s0] =	ssyncset.done @!p1 $0x0  }
0x213: {  	s29 =	sadd.s32 s30, s14;
	[sflag:s0] =	ssyncadd.s32 @!p1 $0xFFFFE000  }
0x214: {  	[tilespmem:s20], [sflag:$0x5] =	stream.linear.gather [hbm4b:s29+s4], $0x1400, $0x38;
	[tilespmem:$0x1F400] =	vst v63  }
0x215: {  	_ =	swait.ge [sflag:s16], $0x1400  }
0x216: {  	[sflag:s16] =	ssyncset.done $0x0  }
0x217: {  	s30 =	sadd.s32 s30, s13;
	[sflag:s16] =	ssyncadd.s32 $0xFFFFEC00  }
0x218: {  	[tilespmem:s21], [sflag:$0x5] =	stream.linear.gather [hbm4b:s30+s4], $0x1400, $0x38;
	[tilespmem:$0x1F400] =	vst v63  }
0x219: {  	_ =	swait.ge [sflag:s16], $0x1400  }
0x21a: {  	[sflag:s16] =	ssyncset.done $0x0  }
0x21b: {  	[sflag:s16] =	ssyncadd.s32 $0xFFFFEC00  }
0x21c: {  	[tilespmem:s23], [sflag:$0x1] =	stream.indirect.gather [spmem:s3], $0x10, s20, s22, $0xb8;
	[tilespmem:$0x1F400] =	vst v63  }
0x21d: {  	_ =	swait.ge [sflag:s17], $0x2000  }
0x21e: {  	[sflag:s17] =	ssyncset.done $0x0  }
0x21f: {  	[sflag:s17] =	ssyncadd.s32 $0xFFFFE000  }
0x220: {  	[spmem:s1] =	stream.indirect.scatter.add.f32 [tilespmem:s23], [sflag:$0x3], $0x10, s21, s22, $0xb8;
	[tilespmem:$0x1F400] =	vst v63  }
0x221: {  	_ = 	snop  }
0x222: {  	[tilespmem:s25], [sflag:$0x2] =	stream.indirect.gather [spmem:s3], $0x10, s6, s22, $0xb8;
	[tilespmem:$0x1F400] =	vst v63  }
0x223: {  	_ =	swait.ge [sflag:s18], $0x2000  }
0x224: {  	[sflag:s18] =	ssyncset.done $0x0  }
0x225: {  	[sflag:s18] =	ssyncadd.s32 $0xFFFFE000  }
0x226: {  	[spmem:s1] =	stream.indirect.scatter.add.f32 [tilespmem:s25], [sflag:$0x4], $0x10, s2, s22, $0xb8;
	[tilespmem:$0x1F400] =	vst v63  }
0x227: {  	_ =	swait.ge [sflag:s28], $0x2000  }
0x228: {  	[sflag:s28] =	ssyncset.done $0x0  }
0x229: {  	[sflag:s28] =	ssyncadd.s32 $0xFFFFE000  }
0x22a: {  	[tilespmem:s23], [sflag:$0x1] =	stream.indirect.gather [spmem:s3], $0x10, s7, s22, $0xb8;
	[tilespmem:$0x1F400] =	vst v63  }
0x22b: {  	_ =	swait.ge [sflag:s17], $0x2000  }
0x22c: {  	[sflag:s17] =	ssyncset.done $0x0  }
0x22d: {  	[sflag:s17] =	ssyncadd.s32 $0xFFFFE000  }
0x22e: {  	[spmem:s1] =	stream.indirect.scatter.add.f32 [tilespmem:s23], [sflag:$0x3], $0x10, s8, s22, $0xb8;
	[tilespmem:$0x1F400] =	vst v63  }
0x22f: {  	_ =	swait.ge [sflag:s31], $0x2000  }
0x230: {  	[sflag:s31] =	ssyncset.done $0x0  }
0x231: {  	[sflag:s31] =	ssyncadd.s32 $0xFFFFE000  }
0x232: {  	[tilespmem:s25], [sflag:$0x2] =	stream.indirect.gather [spmem:s3], $0x10, s9, s22, $0xb8;
	[tilespmem:$0x1F400] =	vst v63  }
0x233: {  	_ =	swait.ge [sflag:s18], $0x2000  }
0x234: {  	[sflag:s18] =	ssyncset.done $0x0  }
0x235: {  	[sflag:s18] =	ssyncadd.s32 $0xFFFFE000  }
0x236: {  	[spmem:s1] =	stream.indirect.scatter.add.f32 [tilespmem:s25], [sflag:$0x4], $0x10, s10, s22, $0xb8;
	[tilespmem:$0x1F400] =	vst v63  }
0x237: {  	_ =	swait.ge [sflag:s28], $0x2000  }
0x238: {  	[sflag:s28] =	ssyncset.done $0x0  }
0x239: {  	[sflag:s28] =	ssyncadd.s32 $0xFFFFE000  }
0x23a: {  	[tilespmem:s23], [sflag:$0x1] =	stream.indirect.gather [spmem:s3], $0x10, s11, s22, $0xb8;
	[tilespmem:$0x1F400] =	vst v63  }
0x23b: {  	_ =	swait.ge [sflag:s17], $0x2000  }
0x23c: {  	[sflag:s17] =	ssyncset.done $0x0  }
0x23d: {  	[sflag:s17] =	ssyncadd.s32 $0xFFFFE000  }
0x23e: {  	[spmem:s1] =	stream.indirect.scatter.add.f32 [tilespmem:s23], [sflag:$0x3], $0x10, s12, s22, $0xb8;
	[tilespmem:$0x1F400] =	vst v63  }
0x23f: {  	_ =	swait.ge [sflag:s31], $0x2000  }
0x240: {  	[sflag:s31] =	ssyncset.done $0x0  }
0x241: {  	[sflag:s31] =	ssyncadd.s32 $0xFFFFE000  }
0x242: {  	[tilespmem:s25], [sflag:$0x2] =	stream.indirect.gather [spmem:s3], $0x10, s19, s22, $0xb8;
	[tilespmem:$0x1F400] =	vst v63  }
0x243: {  	_ =	swait.ge [sflag:s18], $0x2000  }
0x244: {  	[sflag:s18] =	ssyncset.done $0x0  }
0x245: {  	[sflag:s18] =	ssyncadd.s32 $0xFFFFE000  }
0x246: {  	[spmem:s1] =	stream.indirect.scatter.add.f32 [tilespmem:s25], [sflag:$0x4], $0x10, s15, s22, $0xb8;
	[tilespmem:$0x1F400] =	vst v63  }
0x247: {  	_ =	swait.ge [sflag:s28], $0x2000  }
0x248: {  	[sflag:s28] =	ssyncset.done $0x0  }
0x249: {  	[sflag:s28] =	ssyncadd.s32 $0xFFFFE000  }
0x24a: {  	[tilespmem:s23], [sflag:$0x1] =	stream.indirect.gather [spmem:s3], $0x10, s24, s22, $0xb8;
	[tilespmem:$0x1F400] =	vst v63  }
0x24b: {  	_ =	swait.ge [sflag:s17], $0x2000  }
0x24c: {  	[sflag:s17] =	ssyncset.done $0x0  }
0x24d: {  	s7 =	simm.s32 $0x1A800;
	[sflag:s17] =	ssyncadd.s32 $0xFFFFE000  }
0x24e: {  	[spmem:s1] =	stream.indirect.scatter.add.f32 [tilespmem:s23], [sflag:$0x3], $0x10, s7, s22, $0xb8;
	[tilespmem:$0x1F400] =	vst v63  }
0x24f: {  	_ =	swait.ge [sflag:s31], $0x2000  }
0x250: {  	[sflag:s31] =	ssyncset.done $0x0  }
0x251: {  	s8 =	simm.s32 $0x19600;
	[sflag:s31] =	ssyncadd.s32 $0xFFFFE000  }
0x252: {  	[tilespmem:s25], [sflag:$0x2] =	stream.indirect.gather [spmem:s3], $0x10, s8, s22, $0xb8;
	[tilespmem:$0x1F400] =	vst v63  }
0x253: {  	_ =	swait.ge [sflag:s18], $0x2000  }
0x254: {  	[sflag:s18] =	ssyncset.done $0x0  }
0x255: {  	s9 =	simm.s32 $0x1AA00;
	[sflag:s18] =	ssyncadd.s32 $0xFFFFE000  }
0x256: {  	[spmem:s1] =	stream.indirect.scatter.add.f32 [tilespmem:s25], [sflag:$0x4], $0x10, s9, s22, $0xb8;
	[tilespmem:$0x1F400] =	vst v63  }
0x257: {  	_ =	swait.ge [sflag:s28], $0x2000  }
0x258: {  	[sflag:s28] =	ssyncset.done $0x0  }
0x259: {  	s10 =	simm.s32 $0x19800;
	[sflag:s28] =	ssyncadd.s32 $0xFFFFE000  }
0x25a: {  	[tilespmem:s23], [sflag:$0x1] =	stream.indirect.gather [spmem:s3], $0x10, s10, s22, $0xb8;
	[tilespmem:$0x1F400] =	vst v63  }
0x25b: {  	_ =	swait.ge [sflag:s17], $0x2000  }
0x25c: {  	[sflag:s17] =	ssyncset.done $0x0  }
0x25d: {  	s11 =	simm.s32 $0x1AC00;
	[sflag:s17] =	ssyncadd.s32 $0xFFFFE000  }
0x25e: {  	[spmem:s1] =	stream.indirect.scatter.add.f32 [tilespmem:s23], [sflag:$0x3], $0x10, s11, s22, $0xb8;
	[tilespmem:$0x1F400] =	vst v63  }
0x25f: {  	_ =	swait.ge [sflag:s31], $0x2000  }
0x260: {  	[sflag:s31] =	ssyncset.done $0x0  }
0x261: {  	s12 =	simm.s32 $0x19A00;
	[sflag:s31] =	ssyncadd.s32 $0xFFFFE000  }
0x262: {  	[tilespmem:s25], [sflag:$0x2] =	stream.indirect.gather [spmem:s3], $0x10, s12, s22, $0xb8;
	[tilespmem:$0x1F400] =	vst v63  }
0x263: {  	_ =	swait.ge [sflag:s18], $0x2000  }
0x264: {  	[sflag:s18] =	ssyncset.done $0x0  }
0x265: {  	[sflag:s18] =	ssyncadd.s32 $0xFFFFE000  }
0x266: {  	[spmem:s1] =	stream.indirect.scatter.add.f32 [tilespmem:s25], [sflag:$0x4], $0x10, s26, s22, $0xb8;
	[tilespmem:$0x1F400] =	vst v63  }
0x267: {  	_ =	swait.ge [sflag:s28], $0x2000  }
0x268: {  	[sflag:s28] =	ssyncset.done $0x0  }
0x269: {  	[sflag:s28] =	ssyncadd.s32 $0xFFFFE000  }
0x26a: {  	_ =	swait.ge [sflag:s31], $0x2000  }
0x26b: {  	[sflag:s31] =	ssyncset.done $0x0  }
0x26c: {  	[sflag:s31] =	ssyncadd.s32 $0xFFFFE000  }
0x26d: {  	[bflag:$0x0] =	sbarrier.arrive $0xFFFF  }
0x26e: {  	s15 =	rddreg [dreg:$0x9]  }
0x26f: {  	s24 =	rddreg [dreg:$0xc]  }
0x270: {  	s19 =	simm.s32 $0x8;
	s26 =	rddreg [dreg:$0xe]  }
0x271: {  	[hbm:s15@s19], [sflag:s24] =	dma.strided [spmem:s26@s18], $0x1870, s17, $0x2   }
0x272: {  	_ =	swait.ge [sflag:s16], $0x1870  }
0x273: {  	s29 =	rddreg [dreg:$0xb]  }
0x274: {  	s30 =	rddreg [dreg:$0xa];
	s7 =	sadd.s32 $0x1, s29  }
0x275: {  	p0 =	sne.s32 s7, s30  }
.Ltmp5:
0x276: {  	_ = 	snop;
	(pc) =	sbr.rel @p0 .LBB2_1-.Ltmp5, $4  }
0x277: {  	[sflag:s16] =	ssyncset.done $0x0  }
0x278: {  	[sflag:s16] =	ssyncadd.s32 $0xFFFFE790  }
0x279: {  	[bflag:$0x0] =	sbarrier.arrive $0xFFFF  }
0x27a: {  	s2 =	simm.s32 $0x1F000  }
0x27b: {  	_ =	sfence.sel $0x180000  }
0x27c: {  	[bflag:$0x0] =	sbarrier.arrive $0xFFFF  }
0x27d: {  	_ =	strace $0x90000047  }
0x27e: {  	s0 =	stileid.u32;
	[bflag:$0x2] =	sbarrier.arrive $0xFFFF  }
0x27f: {  	p0 =	sne.s32 s0, $0x0;
	s0 =	rddreg [dreg:$0x3]  }
0x280: {  	s0 =	sadd.s32 @!p0 $0x100000, s0  }
0x281: {  	[sflag:s0] =	ssyncadd.tile.s32 @!p0 $0x1;
	_ =	shalt  }
.Lfunc_end2:
_tile_overlayer_lowered:
.L_overlay_start_2:
0x282: {  	(tag) =	ssettag $0x2  }
0x283: {  	s0 =	rddreg [dreg:$0x0];
	s2 =	stileid.u32  }
0x284: {  	s1 =	rddreg [dreg:$0x1];
	p0 =	sne.s32 s2, $0x0  }
0x285: {  	s3 =	rddreg [dreg:$0x2];
	[bflag:$0x3] =	sbarrier.arrive $0xFFFF;
	s2 =	simm.s32 @!p0 $0x1C05  }
0x286: {  	[timem:s3], [sflag:s2] =	dma.local @!p0 [hbm:s0], s1  }
0x287: {  	s0 =	simm.s32 @!p0 $0x5  }
0x288: {  	_ =	swait.ge @!p0 [sflag:s0], s1  }
0x289: {  	s1 =	ssub.s32 @!p0 $0x0, s1;
	[sflag:s0] =	ssyncset.done @!p0 $0x0  }
0x28a: {  	[sflag:s0] =	ssyncadd.s32 @!p0 s1  }
0x28b: {  	[bflag:$0x3] =	sbarrier.arrive $0xFFFF  }
0x28c: {  	_ =	shalt  }

</sc_bundles>
